<compile_context>
chip_gen: v7x
topology: tpu7x:2x2x1
jax: 0.10.2.dev20260603
libtpu: 0.0.44.dev20260713+nightly
codegen_flags: <defaults>
</compile_context>

<pallas_src>
import functools

import jax
import jax.numpy as jnp
from jax import lax
from jax.experimental import pallas as pl
from jax.experimental.pallas import tpu as pltpu
from jax.experimental.pallas import tpu_sc as plsc

N_NODES = 10000
M_PAD = 10240
N_EDGES = 320000
D_IN = 128
D_HID = 64
D_OUT = 32
D_DEG = 16

NC = 2
NS = 16
NW = NC * NS
CHUNK = 128
E_PAD = 327680
EDGES_PER_TILE = E_PAD // NW
NCHUNK = EDGES_PER_TILE // CHUNK
NBUF = 5
NROUND = NCHUNK // NBUF
ROWS_PER_TILE = M_PAD // NS

ROW_BLK = 2048
GRID_M = M_PAD // ROW_BLK


def _make_agg(depth, with_deg):
  mesh = plsc.VectorSubcoreMesh(core_axis_name="c", subcore_axis_name="s")

  out_type = [jax.ShapeDtypeStruct((NC, M_PAD, depth), jnp.float32)]
  scratch = [
      pltpu.VMEM((NCHUNK, CHUNK), jnp.int32),
      pltpu.VMEM((NCHUNK, CHUNK), jnp.int32),
      [pltpu.VMEM((CHUNK, depth), jnp.float32) for _ in range(NBUF)],
      pltpu.VMEM_SHARED((M_PAD, depth), jnp.float32),
      [pltpu.SemaphoreType.DMA for _ in range(NBUF)],
      [pltpu.SemaphoreType.DMA for _ in range(NBUF)],
      pltpu.SemaphoreType.DMA,
  ]
  if with_deg:
    out_type.append(jax.ShapeDtypeStruct((NC, NS, M_PAD), jnp.float32))
    scratch.append(pltpu.VMEM((M_PAD,), jnp.float32))

  @functools.partial(
      pl.kernel,
      out_type=out_type,
      mesh=mesh,
      scratch_types=scratch,
      compiler_params=pltpu.CompilerParams(use_tc_tiling_on_sc=False,
                                           needs_layout_passes=False),
  )
  def agg(table_hbm, src_hbm, dst_hbm, zeros_hbm, *rest):
    if with_deg:
      (zeros1_hbm, out_hbm, deg_hbm, src_v, dst_v, rows_v, acc_sh,
       sem_g, sem_s, sem_z, hist_v) = rest
    else:
      out_hbm, src_v, dst_v, rows_v, acc_sh, sem_g, sem_s, sem_z = rest
    core = lax.axis_index("c")
    sub = lax.axis_index("s")
    w = core * NS + sub
    pltpu.sync_copy(src_hbm.at[w], src_v)
    pltpu.sync_copy(dst_hbm.at[w], dst_v)
    r0 = sub * ROWS_PER_TILE
    pltpu.async_copy(zeros_hbm.at[pl.ds(r0, ROWS_PER_TILE)],
                     acc_sh.at[pl.ds(r0, ROWS_PER_TILE)], sem_z).wait()
    if with_deg:
      pltpu.async_copy(zeros1_hbm, hist_v, sem_z).wait()
      ones16 = jnp.ones((16,), jnp.float32)

    plsc.subcore_barrier()

    for b in range(NBUF):
      pltpu.async_copy(table_hbm.at[src_v.at[b]], rows_v[b], sem_g[b])

    @pl.loop(0, NROUND)
    def _(g):
      for b in range(NBUF):
        c = g * NBUF + b
        pltpu.make_async_copy(table_hbm.at[src_v.at[c]],
                              rows_v[b], sem_g[b]).wait()
        pltpu.async_copy(rows_v[b], acc_sh.at[dst_v.at[c]], sem_s[b],
                         add=True)
        if with_deg:
          for k in range(CHUNK // 16):
            idx16 = dst_v[c, pl.ds(k * 16, 16)]
            plsc.addupdate_scatter(hist_v, [idx16], ones16)

        @pl.when(g < NROUND - 1)
        def _():
          pltpu.make_async_copy(table_hbm.at[src_v.at[c]],
                                rows_v[b], sem_s[b]).wait()
          pltpu.async_copy(table_hbm.at[src_v.at[c + NBUF]],
                           rows_v[b], sem_g[b])

    for b in range(NBUF):
      pltpu.make_async_copy(table_hbm.at[src_v.at[b]],
                            rows_v[b], sem_s[b]).wait()

    plsc.subcore_barrier()
    pltpu.sync_copy(acc_sh.at[pl.ds(r0, ROWS_PER_TILE)],
                    out_hbm.at[core, pl.ds(r0, ROWS_PER_TILE)])
    if with_deg:
      pltpu.sync_copy(hist_v, deg_hbm.at[core, sub])

  return agg


_agg_l1 = _make_agg(D_HID, True)
_agg_l2 = _make_agg(D_OUT, False)


def _mm(a, b):
  return lax.dot_general(a, b, (((1,), (0,)), ((), ())),
                         precision=lax.Precision.DEFAULT,
                         preferred_element_type=jnp.float32)


def _tc1_body(x2_ref, w1lc_ref, w1rc_ref, xlp_ref, xrp_ref):
  x2 = x2_ref[...]
  xlp_ref[...] = _mm(x2, w1lc_ref[...])
  xrp_ref[...] = _mm(x2, w1rc_ref[...])


def _tc2_body(p1_ref, degp_ref, xrp_ref, b1p_ref, w2lc_ref, w2rc_ref,
              hlp_ref, hrp_ref):
  agg = p1_ref[0] + p1_ref[1]
  h = jnp.maximum(agg / degp_ref[...] + b1p_ref[...][None, :] + xrp_ref[...],
                  0.0)
  hlp_ref[...] = _mm(h, w2lc_ref[...])
  hrp_ref[...] = _mm(h, w2rc_ref[...])


def _tc3_body(p2_ref, degp4_ref, hrp4_ref, b2p4_ref, out_ref):
  s2 = p2_ref[0] + p2_ref[1]
  out_ref[...] = (s2 / degp4_ref[...] + b2p4_ref[...][None, :]
                  + hrp4_ref[...])


def _tc1(x2, W1lc, W1rc):
  return pl.pallas_call(
      _tc1_body,
      grid=(GRID_M,),
      in_specs=[
          pl.BlockSpec((ROW_BLK // 2, 2 * D_IN), lambda i: (i, 0)),
          pl.BlockSpec((2 * D_IN, 128), lambda i: (0, 0)),
          pl.BlockSpec((2 * D_IN, 128), lambda i: (0, 0)),
      ],
      out_specs=[
          pl.BlockSpec((ROW_BLK // 2, 128), lambda i: (i, 0)),
          pl.BlockSpec((ROW_BLK // 2, 128), lambda i: (i, 0)),
      ],
      out_shape=[
          jax.ShapeDtypeStruct((M_PAD // 2, 128), jnp.float32),
          jax.ShapeDtypeStruct((M_PAD // 2, 128), jnp.float32),
      ],
  )(x2, W1lc, W1rc)


def _tc2(p1, degp, xrp, b1p, W2lc, W2rc):
  return pl.pallas_call(
      _tc2_body,
      grid=(GRID_M,),
      in_specs=[
          pl.BlockSpec((NC, ROW_BLK // 2, 128), lambda i: (0, i, 0)),
          pl.BlockSpec((ROW_BLK // 2, 128), lambda i: (i, 0)),
          pl.BlockSpec((ROW_BLK // 2, 128), lambda i: (i, 0)),
          pl.BlockSpec((128,), lambda i: (0,)),
          pl.BlockSpec((128, D_HID), lambda i: (0, 0)),
          pl.BlockSpec((128, D_HID), lambda i: (0, 0)),
      ],
      out_specs=[
          pl.BlockSpec((ROW_BLK // 2, D_HID), lambda i: (i, 0)),
          pl.BlockSpec((ROW_BLK // 2, D_HID), lambda i: (i, 0)),
      ],
      out_shape=[
          jax.ShapeDtypeStruct((M_PAD // 2, D_HID), jnp.float32),
          jax.ShapeDtypeStruct((M_PAD // 2, D_HID), jnp.float32),
      ],
  )(p1, degp, xrp, b1p, W2lc, W2rc)


def _tc3(p2, degp4, hrp4, b2p4):
  return pl.pallas_call(
      _tc3_body,
      grid=(GRID_M,),
      in_specs=[
          pl.BlockSpec((NC, ROW_BLK // 4, 128), lambda i: (0, i, 0)),
          pl.BlockSpec((ROW_BLK // 4, 128), lambda i: (i, 0)),
          pl.BlockSpec((ROW_BLK // 4, 128), lambda i: (i, 0)),
          pl.BlockSpec((128,), lambda i: (0,)),
      ],
      out_specs=pl.BlockSpec((ROW_BLK // 4, 128), lambda i: (i, 0)),
      out_shape=jax.ShapeDtypeStruct((M_PAD // 4, 128), jnp.float32),
  )(p2, degp4, hrp4, b2p4)


def _blockdiag2(w):
  k, n = w.shape
  z = jnp.zeros((k, n), jnp.float32)
  return jnp.concatenate(
      [jnp.concatenate([w, z], axis=1), jnp.concatenate([z, w], axis=1)],
      axis=0)


def kernel(x, edge_index, W1l, b1, W1r, W2l, b2, W2r):
  e0 = edge_index[0].astype(jnp.int32)
  e1 = edge_index[1].astype(jnp.int32)
  npad = E_PAD - N_EDGES
  pad_iota = jnp.arange(npad, dtype=jnp.int32)
  src = jnp.concatenate([e0, pad_iota % N_NODES]).reshape(NW, NCHUNK, CHUNK)
  dst = jnp.concatenate(
      [e1, N_NODES + pad_iota % (M_PAD - N_NODES)]).reshape(NW, NCHUNK, CHUNK)
  x2 = jnp.concatenate(
      [x, jnp.zeros((M_PAD - N_NODES, D_IN), jnp.float32)]
  ).reshape(M_PAD // 2, 2 * D_IN)
  W1lc = _blockdiag2(W1l.T)
  W1rc = _blockdiag2(W1r.T)
  W2lc = _blockdiag2(W2l.T)
  W2rc = _blockdiag2(W2r.T)
  b1p = jnp.concatenate([b1, b1])
  b2p4 = jnp.concatenate([b2, b2, b2, b2])

  xlp, xrp = _tc1(x2, W1lc, W1rc)
  xl_tab = xlp.reshape(M_PAD, D_HID)
  p1_out, deg_out = _agg_l1(xl_tab, src, dst,
                            jnp.zeros((M_PAD, D_HID), jnp.float32),
                            jnp.zeros((M_PAD,), jnp.float32))
  p1 = p1_out.reshape(NC, M_PAD // 2, 128)
  deg1 = jnp.clip(deg_out.sum(axis=(0, 1)), 1.0, None)
  degp = jnp.repeat(deg1.reshape(M_PAD // 2, 2), D_HID, axis=1)
  degp4 = jnp.repeat(deg1.reshape(M_PAD // 4, 4), D_OUT, axis=1)

  hlp, hrp = _tc2(p1, degp, xrp, b1p, W2lc, W2rc)
  hl_tab = hlp.reshape(M_PAD, D_OUT)
  hrp4 = hrp.reshape(M_PAD // 4, 128)
  p2_out = _agg_l2(hl_tab, src, dst, jnp.zeros((M_PAD, D_OUT), jnp.float32))
  p2 = p2_out[0].reshape(NC, M_PAD // 4, 128)
  outp = _tc3(p2, degp4, hrp4, b2p4)
  return outp[:N_NODES // 4].reshape(N_NODES, D_OUT)

# --- scband reference (transcript-rebuilt; emitter-appended) ---
"""Pipeline reference for scband-graph-sageencoder-81544249081903 (READ-ONLY COPY).

The authoritative reference and input builder live on the scoring server;
editing this copy changes nothing except your own understanding.
"""

import jax, jax.numpy as jnp
import numpy as np

N_NODES = 10000
N_EDGES = 320000
D_IN = 128
D_HID = 64
D_OUT = 32


def setup_inputs(seed: int = 0) -> dict:
    key = jax.random.key(seed)
    ks = jax.random.split(key, 8)
    x = jax.random.normal(ks[0], (N_NODES, D_IN), dtype=jnp.float32)
    edge_index = jax.random.randint(ks[1], (2, N_EDGES), 0, N_NODES, dtype=jnp.int64)
    # SAGEConv layer 1 params (PyG: lin_l applied to aggregated neighbors w/ bias, lin_r to root)
    s1 = 1.0 / np.sqrt(D_IN)
    W1l = jax.random.uniform(ks[2], (D_HID, D_IN), minval=-s1, maxval=s1, dtype=jnp.float32)
    b1 = jax.random.uniform(ks[3], (D_HID,), minval=-s1, maxval=s1, dtype=jnp.float32)
    W1r = jax.random.uniform(ks[4], (D_HID, D_IN), minval=-s1, maxval=s1, dtype=jnp.float32)
    # SAGEConv layer 2 params
    s2 = 1.0 / np.sqrt(D_HID)
    W2l = jax.random.uniform(ks[5], (D_OUT, D_HID), minval=-s2, maxval=s2, dtype=jnp.float32)
    b2 = jax.random.uniform(ks[6], (D_OUT,), minval=-s2, maxval=s2, dtype=jnp.float32)
    W2r = jax.random.uniform(ks[7], (D_OUT, D_HID), minval=-s2, maxval=s2, dtype=jnp.float32)
    return {"x": x, "edge_index": edge_index, "W1l": W1l, "b1": b1, "W1r": W1r,
            "W2l": W2l, "b2": b2, "W2r": W2r}


def _sage_conv(x, edge_index, Wl, bl, Wr):
    # PyG SAGEConv (mean aggr): out = lin_l(mean_{j->i} x_j) + lin_r(x_i)
    src = edge_index[0]
    dst = edge_index[1]
    n = x.shape[0]
    msgs = x[src]  # gather source node features
    agg = jax.ops.segment_sum(msgs, dst, num_segments=n)
    deg = jax.ops.segment_sum(jnp.ones((edge_index.shape[1],), dtype=x.dtype), dst, num_segments=n)
    mean = agg / jnp.clip(deg, 1.0, None)[:, None]
    return mean @ Wl.T + bl + x @ Wr.T


def reference(x, edge_index, W1l, b1, W1r, W2l, b2, W2r):
    h = _sage_conv(x, edge_index, W1l, b1, W1r)
    h = jax.nn.relu(h)
    # dropout is identity in eval mode
    out = _sage_conv(h, edge_index, W2l, b2, W2r)
    return out

if __name__ == "__main__":
    import jax
    _d = setup_inputs()
    print(jax.jit(kernel)(*tuple(_d.values())))

</pallas_src>

<mosaic_0001>
#map = affine_map<(d0, d1) -> (0, 0)>
#map1 = affine_map<(d0, d1) -> (0, 0, 0)>
#map2 = affine_map<(d0, d1) -> (0)>
module attributes {stable_mosaic.version = 14 : i64} {
  func.func @agg(%arg0: i32, %arg1: i32, %arg2: memref<10240x64xf32, #tpu.memory_space<hbm>>, %arg3: memref<32x80x128xi32, #tpu.memory_space<hbm>>, %arg4: memref<32x80x128xi32, #tpu.memory_space<hbm>>, %arg5: memref<10240x64xf32, #tpu.memory_space<hbm>>, %arg6: memref<10240xf32, #tpu.memory_space<hbm>>, %arg7: memref<2x10240x64xf32, #tpu.memory_space<hbm>>, %arg8: memref<2x16x10240xf32, #tpu.memory_space<hbm>>, %arg9: memref<80x128xi32, #tpu.memory_space<vmem>>, %arg10: memref<80x128xi32, #tpu.memory_space<vmem>>, %arg11: memref<128x64xf32, #tpu.memory_space<vmem>>, %arg12: memref<128x64xf32, #tpu.memory_space<vmem>>, %arg13: memref<128x64xf32, #tpu.memory_space<vmem>>, %arg14: memref<128x64xf32, #tpu.memory_space<vmem>>, %arg15: memref<128x64xf32, #tpu.memory_space<vmem>>, %arg16: memref<10240x64xf32, #tpu.memory_space<vmem_shared>>, %arg17: memref<!tpu.dma_semaphore, #tpu.memory_space<semaphore_mem>>, %arg18: memref<!tpu.dma_semaphore, #tpu.memory_space<semaphore_mem>>, %arg19: memref<!tpu.dma_semaphore, #tpu.memory_space<semaphore_mem>>, %arg20: memref<!tpu.dma_semaphore, #tpu.memory_space<semaphore_mem>>, %arg21: memref<!tpu.dma_semaphore, #tpu.memory_space<semaphore_mem>>, %arg22: memref<!tpu.dma_semaphore, #tpu.memory_space<semaphore_mem>>, %arg23: memref<!tpu.dma_semaphore, #tpu.memory_space<semaphore_mem>>, %arg24: memref<!tpu.dma_semaphore, #tpu.memory_space<semaphore_mem>>, %arg25: memref<!tpu.dma_semaphore, #tpu.memory_space<semaphore_mem>>, %arg26: memref<!tpu.dma_semaphore, #tpu.memory_space<semaphore_mem>>, %arg27: memref<!tpu.dma_semaphore, #tpu.memory_space<semaphore_mem>>, %arg28: memref<10240xf32, #tpu.memory_space<vmem>>) attributes {dimension_semantics = [#tpu.dimension_semantics<core_parallel>, #tpu.dimension_semantics<subcore_parallel>], iteration_bounds = array<i64: 2, 16>, scalar_prefetch = 0 : i64, scratch_operands = 20 : i64, tpu.core_type = #tpu.core_type<sc_vector_subcore>, window_params = [{transform_indices = #map}, {transform_indices = #map1}, {transform_indices = #map1}, {transform_indices = #map}, {transform_indices = #map2}, {transform_indices = #map1}, {transform_indices = #map1}]} {
    %mul3A = arith.constant 16 : i32
    %mul3A_0 = arith.muli %arg0, %mul3A : i32
    %add3A = arith.addi %mul3A_0, %arg1 : i32
    "tpu.region"() ({
      %run_scoped3A = tpu.sem_alloc : memref<!tpu.dma_semaphore, #tpu.memory_space<semaphore_mem>>
      %dma_start3A_85 = arith.constant 0 : i32
      %dma_start3A_86 = arith.constant 0 : i32
      %dma_start3A_87 = tpu.memref_slice %arg3[%add3A, %dma_start3A_85, %dma_start3A_86] : memref<32x80x128xi32, #tpu.memory_space<hbm>> -> memref<1x80x128xi32, #tpu.memory_space<hbm>>
      %dma_start3A_88 = tpu.memref_squeeze %dma_start3A_87 : memref<1x80x128xi32, #tpu.memory_space<hbm>> -> memref<80x128xi32, #tpu.memory_space<hbm>>
      %dma_start3A_89 = arith.constant 0 : i32
      %dma_start3A_90 = arith.constant 0 : i32
      %dma_start3A_91 = tpu.memref_slice %arg3[%add3A, %dma_start3A_89, %dma_start3A_90] : memref<32x80x128xi32, #tpu.memory_space<hbm>> -> memref<1x80x128xi32, #tpu.memory_space<hbm>>
      %dma_start3A_92 = tpu.memref_squeeze %dma_start3A_91 : memref<1x80x128xi32, #tpu.memory_space<hbm>> -> memref<80x128xi32, #tpu.memory_space<hbm>>
      tpu.enqueue_dma source(%dma_start3A_92 : memref<80x128xi32, #tpu.memory_space<hbm>>) target(%arg9 : memref<80x128xi32, #tpu.memory_space<vmem>>) target_semaphore(%run_scoped3A : memref<!tpu.dma_semaphore, #tpu.memory_space<semaphore_mem>>)
      %dma_wait3A_93 = arith.constant 0 : i32
      %dma_wait3A_94 = arith.constant 0 : i32
      %dma_wait3A_95 = tpu.memref_slice %arg3[%add3A, %dma_wait3A_93, %dma_wait3A_94] : memref<32x80x128xi32, #tpu.memory_space<hbm>> -> memref<1x80x128xi32, #tpu.memory_space<hbm>>
      %dma_wait3A_96 = tpu.memref_squeeze %dma_wait3A_95 : memref<1x80x128xi32, #tpu.memory_space<hbm>> -> memref<80x128xi32, #tpu.memory_space<hbm>>
      %dma_wait3A_97 = arith.constant 0 : i32
      %dma_wait3A_98 = arith.constant 0 : i32
      %dma_wait3A_99 = tpu.memref_slice %arg3[%add3A, %dma_wait3A_97, %dma_wait3A_98] : memref<32x80x128xi32, #tpu.memory_space<hbm>> -> memref<1x80x128xi32, #tpu.memory_space<hbm>>
      %dma_wait3A_100 = tpu.memref_squeeze %dma_wait3A_99 : memref<1x80x128xi32, #tpu.memory_space<hbm>> -> memref<80x128xi32, #tpu.memory_space<hbm>>
      tpu.wait_dma2 semaphore(%run_scoped3A : memref<!tpu.dma_semaphore, #tpu.memory_space<semaphore_mem>>) src(%dma_wait3A_100 : memref<80x128xi32, #tpu.memory_space<hbm>>) dst(%arg9 : memref<80x128xi32, #tpu.memory_space<vmem>>)
      tpu.yield
    }) : () -> ()
    "tpu.region"() ({
      %run_scoped3A = tpu.sem_alloc : memref<!tpu.dma_semaphore, #tpu.memory_space<semaphore_mem>>
      %dma_start3A_85 = arith.constant 0 : i32
      %dma_start3A_86 = arith.constant 0 : i32
      %dma_start3A_87 = tpu.memref_slice %arg4[%add3A, %dma_start3A_85, %dma_start3A_86] : memref<32x80x128xi32, #tpu.memory_space<hbm>> -> memref<1x80x128xi32, #tpu.memory_space<hbm>>
      %dma_start3A_88 = tpu.memref_squeeze %dma_start3A_87 : memref<1x80x128xi32, #tpu.memory_space<hbm>> -> memref<80x128xi32, #tpu.memory_space<hbm>>
      %dma_start3A_89 = arith.constant 0 : i32
      %dma_start3A_90 = arith.constant 0 : i32
      %dma_start3A_91 = tpu.memref_slice %arg4[%add3A, %dma_start3A_89, %dma_start3A_90] : memref<32x80x128xi32, #tpu.memory_space<hbm>> -> memref<1x80x128xi32, #tpu.memory_space<hbm>>
      %dma_start3A_92 = tpu.memref_squeeze %dma_start3A_91 : memref<1x80x128xi32, #tpu.memory_space<hbm>> -> memref<80x128xi32, #tpu.memory_space<hbm>>
      tpu.enqueue_dma source(%dma_start3A_92 : memref<80x128xi32, #tpu.memory_space<hbm>>) target(%arg10 : memref<80x128xi32, #tpu.memory_space<vmem>>) target_semaphore(%run_scoped3A : memref<!tpu.dma_semaphore, #tpu.memory_space<semaphore_mem>>)
      %dma_wait3A_93 = arith.constant 0 : i32
      %dma_wait3A_94 = arith.constant 0 : i32
      %dma_wait3A_95 = tpu.memref_slice %arg4[%add3A, %dma_wait3A_93, %dma_wait3A_94] : memref<32x80x128xi32, #tpu.memory_space<hbm>> -> memref<1x80x128xi32, #tpu.memory_space<hbm>>
      %dma_wait3A_96 = tpu.memref_squeeze %dma_wait3A_95 : memref<1x80x128xi32, #tpu.memory_space<hbm>> -> memref<80x128xi32, #tpu.memory_space<hbm>>
      %dma_wait3A_97 = arith.constant 0 : i32
      %dma_wait3A_98 = arith.constant 0 : i32
      %dma_wait3A_99 = tpu.memref_slice %arg4[%add3A, %dma_wait3A_97, %dma_wait3A_98] : memref<32x80x128xi32, #tpu.memory_space<hbm>> -> memref<1x80x128xi32, #tpu.memory_space<hbm>>
      %dma_wait3A_100 = tpu.memref_squeeze %dma_wait3A_99 : memref<1x80x128xi32, #tpu.memory_space<hbm>> -> memref<80x128xi32, #tpu.memory_space<hbm>>
      tpu.wait_dma2 semaphore(%run_scoped3A : memref<!tpu.dma_semaphore, #tpu.memory_space<semaphore_mem>>) src(%dma_wait3A_100 : memref<80x128xi32, #tpu.memory_space<hbm>>) dst(%arg10 : memref<80x128xi32, #tpu.memory_space<vmem>>)
      tpu.yield
    }) : () -> ()
    %mul3A_1 = arith.constant 640 : i32
    %mul3A_2 = arith.muli %arg1, %mul3A_1 : i32
    %dma_start3A = arith.constant 0 : i32
    %dma_start3A_3 = tpu.memref_slice %arg16[%mul3A_2, %dma_start3A] : memref<10240x64xf32, #tpu.memory_space<vmem_shared>> -> memref<640x64xf32, #tpu.memory_space<vmem_shared>>
    %dma_start3A_4 = arith.constant 0 : i32
    %dma_start3A_5 = tpu.memref_slice %arg5[%mul3A_2, %dma_start3A_4] : memref<10240x64xf32, #tpu.memory_space<hbm>> -> memref<640x64xf32, #tpu.memory_space<hbm>>
    tpu.enqueue_dma source(%dma_start3A_5 : memref<640x64xf32, #tpu.memory_space<hbm>>) target(%dma_start3A_3 : memref<640x64xf32, #tpu.memory_space<vmem_shared>>) target_semaphore(%arg27 : memref<!tpu.dma_semaphore, #tpu.memory_space<semaphore_mem>>)
    %dma_wait3A = arith.constant 0 : i32
    %dma_wait3A_6 = tpu.memref_slice %arg16[%mul3A_2, %dma_wait3A] : memref<10240x64xf32, #tpu.memory_space<vmem_shared>> -> memref<640x64xf32, #tpu.memory_space<vmem_shared>>
    %dma_wait3A_7 = arith.constant 0 : i32
    %dma_wait3A_8 = tpu.memref_slice %arg5[%mul3A_2, %dma_wait3A_7] : memref<10240x64xf32, #tpu.memory_space<hbm>> -> memref<640x64xf32, #tpu.memory_space<hbm>>
    tpu.wait_dma2 semaphore(%arg27 : memref<!tpu.dma_semaphore, #tpu.memory_space<semaphore_mem>>) src(%dma_wait3A_8 : memref<640x64xf32, #tpu.memory_space<hbm>>) dst(%dma_wait3A_6 : memref<640x64xf32, #tpu.memory_space<vmem_shared>>)
    tpu.enqueue_dma source(%arg6 : memref<10240xf32, #tpu.memory_space<hbm>>) target(%arg28 : memref<10240xf32, #tpu.memory_space<vmem>>) target_semaphore(%arg27 : memref<!tpu.dma_semaphore, #tpu.memory_space<semaphore_mem>>)
    tpu.wait_dma2 semaphore(%arg27 : memref<!tpu.dma_semaphore, #tpu.memory_space<semaphore_mem>>) src(%arg6 : memref<10240xf32, #tpu.memory_space<hbm>>) dst(%arg28 : memref<10240xf32, #tpu.memory_space<vmem>>)
    %broadcast_in_dim3A = arith.constant 1.000000e+00 : f32
    %broadcast_in_dim3A_9 = vector.broadcast %broadcast_in_dim3A : f32 to vector<16xf32>
    %barrier3A = arith.constant 0 : index
    tpu.barrier barrier_id(%barrier3A)
    %dma_start3A_10 = arith.constant 0 : i32
    %dma_start3A_11 = arith.constant 0 : i32
    %dma_start3A_12 = tpu.memref_slice %arg9[%dma_start3A_10, %dma_start3A_11] : memref<80x128xi32, #tpu.memory_space<vmem>> -> memref<1x128xi32, #tpu.memory_space<vmem>>
    %dma_start3A_13 = tpu.memref_squeeze %dma_start3A_12 : memref<1x128xi32, #tpu.memory_space<vmem>> -> memref<128xi32, #tpu.memory_space<vmem>>
    %dma_start3A_14 = arith.constant 0 : i32
    %dma_start3A_15 = arith.constant 0 : i32
    %dma_start3A_16 = tpu.memref_slice %arg2[%dma_start3A_14, %dma_start3A_15] : memref<10240x64xf32, #tpu.memory_space<hbm>> -> memref<10240x64xf32, #tpu.memory_space<hbm>>
    tpu.enqueue_indirect_dma source(%dma_start3A_16 : memref<10240x64xf32, #tpu.memory_space<hbm>>) target(%arg11 : memref<128x64xf32, #tpu.memory_space<vmem>>) offsets(%dma_start3A_13 : memref<128xi32, #tpu.memory_space<vmem>>) semaphore(%arg17 : memref<!tpu.dma_semaphore, #tpu.memory_space<semaphore_mem>>)
    %dma_start3A_17 = arith.constant 1 : i32
    %dma_start3A_18 = arith.constant 0 : i32
    %dma_start3A_19 = tpu.memref_slice %arg9[%dma_start3A_17, %dma_start3A_18] : memref<80x128xi32, #tpu.memory_space<vmem>> -> memref<1x128xi32, #tpu.memory_space<vmem>>
    %dma_start3A_20 = tpu.memref_squeeze %dma_start3A_19 : memref<1x128xi32, #tpu.memory_space<vmem>> -> memref<128xi32, #tpu.memory_space<vmem>>
    %dma_start3A_21 = arith.constant 0 : i32
    %dma_start3A_22 = arith.constant 0 : i32
    %dma_start3A_23 = tpu.memref_slice %arg2[%dma_start3A_21, %dma_start3A_22] : memref<10240x64xf32, #tpu.memory_space<hbm>> -> memref<10240x64xf32, #tpu.memory_space<hbm>>
    tpu.enqueue_indirect_dma source(%dma_start3A_23 : memref<10240x64xf32, #tpu.memory_space<hbm>>) target(%arg12 : memref<128x64xf32, #tpu.memory_space<vmem>>) offsets(%dma_start3A_20 : memref<128xi32, #tpu.memory_space<vmem>>) semaphore(%arg18 : memref<!tpu.dma_semaphore, #tpu.memory_space<semaphore_mem>>)
    %dma_start3A_24 = arith.constant 2 : i32
    %dma_start3A_25 = arith.constant 0 : i32
    %dma_start3A_26 = tpu.memref_slice %arg9[%dma_start3A_24, %dma_start3A_25] : memref<80x128xi32, #tpu.memory_space<vmem>> -> memref<1x128xi32, #tpu.memory_space<vmem>>
    %dma_start3A_27 = tpu.memref_squeeze %dma_start3A_26 : memref<1x128xi32, #tpu.memory_space<vmem>> -> memref<128xi32, #tpu.memory_space<vmem>>
    %dma_start3A_28 = arith.constant 0 : i32
    %dma_start3A_29 = arith.constant 0 : i32
    %dma_start3A_30 = tpu.memref_slice %arg2[%dma_start3A_28, %dma_start3A_29] : memref<10240x64xf32, #tpu.memory_space<hbm>> -> memref<10240x64xf32, #tpu.memory_space<hbm>>
    tpu.enqueue_indirect_dma source(%dma_start3A_30 : memref<10240x64xf32, #tpu.memory_space<hbm>>) target(%arg13 : memref<128x64xf32, #tpu.memory_space<vmem>>) offsets(%dma_start3A_27 : memref<128xi32, #tpu.memory_space<vmem>>) semaphore(%arg19 : memref<!tpu.dma_semaphore, #tpu.memory_space<semaphore_mem>>)
    %dma_start3A_31 = arith.constant 3 : i32
    %dma_start3A_32 = arith.constant 0 : i32
    %dma_start3A_33 = tpu.memref_slice %arg9[%dma_start3A_31, %dma_start3A_32] : memref<80x128xi32, #tpu.memory_space<vmem>> -> memref<1x128xi32, #tpu.memory_space<vmem>>
    %dma_start3A_34 = tpu.memref_squeeze %dma_start3A_33 : memref<1x128xi32, #tpu.memory_space<vmem>> -> memref<128xi32, #tpu.memory_space<vmem>>
    %dma_start3A_35 = arith.constant 0 : i32
    %dma_start3A_36 = arith.constant 0 : i32
    %dma_start3A_37 = tpu.memref_slice %arg2[%dma_start3A_35, %dma_start3A_36] : memref<10240x64xf32, #tpu.memory_space<hbm>> -> memref<10240x64xf32, #tpu.memory_space<hbm>>
    tpu.enqueue_indirect_dma source(%dma_start3A_37 : memref<10240x64xf32, #tpu.memory_space<hbm>>) target(%arg14 : memref<128x64xf32, #tpu.memory_space<vmem>>) offsets(%dma_start3A_34 : memref<128xi32, #tpu.memory_space<vmem>>) semaphore(%arg20 : memref<!tpu.dma_semaphore, #tpu.memory_space<semaphore_mem>>)
    %dma_start3A_38 = arith.constant 4 : i32
    %dma_start3A_39 = arith.constant 0 : i32
    %dma_start3A_40 = tpu.memref_slice %arg9[%dma_start3A_38, %dma_start3A_39] : memref<80x128xi32, #tpu.memory_space<vmem>> -> memref<1x128xi32, #tpu.memory_space<vmem>>
    %dma_start3A_41 = tpu.memref_squeeze %dma_start3A_40 : memref<1x128xi32, #tpu.memory_space<vmem>> -> memref<128xi32, #tpu.memory_space<vmem>>
    %dma_start3A_42 = arith.constant 0 : i32
    %dma_start3A_43 = arith.constant 0 : i32
    %dma_start3A_44 = tpu.memref_slice %arg2[%dma_start3A_42, %dma_start3A_43] : memref<10240x64xf32, #tpu.memory_space<hbm>> -> memref<10240x64xf32, #tpu.memory_space<hbm>>
    tpu.enqueue_indirect_dma source(%dma_start3A_44 : memref<10240x64xf32, #tpu.memory_space<hbm>>) target(%arg15 : memref<128x64xf32, #tpu.memory_space<vmem>>) offsets(%dma_start3A_41 : memref<128xi32, #tpu.memory_space<vmem>>) semaphore(%arg21 : memref<!tpu.dma_semaphore, #tpu.memory_space<semaphore_mem>>)
    %scan3A = arith.constant 0 : i32
    %scan3A_45 = arith.constant 16 : i32
    %scan3A_46 = arith.addi %scan3A, %scan3A_45 : i32
    %scan3A_47 = arith.constant 1 : i32
    scf.for %scan3A_85 = %scan3A to %scan3A_46 step %scan3A_47  : i32 {
      %mul3A_86 = arith.constant 1 : i32
      %mul3A_87 = arith.muli %scan3A_85, %mul3A_86 : i32
      %add3A_88 = arith.constant 0 : i32
      %add3A_89 = arith.addi %add3A_88, %mul3A_87 : i32
      %mul3A_90 = arith.constant 5 : i32
      %mul3A_91 = arith.muli %add3A_89, %mul3A_90 : i32
      %add3A_92 = arith.constant 0 : i32
      %add3A_93 = arith.addi %mul3A_91, %add3A_92 : i32
      %dma_wait3A_94 = arith.constant 0 : i32
      %dma_wait3A_95 = tpu.memref_slice %arg9[%add3A_93, %dma_wait3A_94] : memref<80x128xi32, #tpu.memory_space<vmem>> -> memref<1x128xi32, #tpu.memory_space<vmem>>
      %dma_wait3A_96 = tpu.memref_squeeze %dma_wait3A_95 : memref<1x128xi32, #tpu.memory_space<vmem>> -> memref<128xi32, #tpu.memory_space<vmem>>
      %dma_wait3A_97 = arith.constant 0 : i32
      %dma_wait3A_98 = arith.constant 0 : i32
      %dma_wait3A_99 = tpu.memref_slice %arg2[%dma_wait3A_97, %dma_wait3A_98] : memref<10240x64xf32, #tpu.memory_space<hbm>> -> memref<10240x64xf32, #tpu.memory_space<hbm>>
      tpu.wait_indirect_dma semaphore(%arg17 : memref<!tpu.dma_semaphore, #tpu.memory_space<semaphore_mem>>) src(%dma_wait3A_99 : memref<10240x64xf32, #tpu.memory_space<hbm>>) dst(%arg11 : memref<128x64xf32, #tpu.memory_space<vmem>>)
      %dma_start3A_100 = arith.constant 0 : i32
      %dma_start3A_101 = tpu.memref_slice %arg10[%add3A_93, %dma_start3A_100] : memref<80x128xi32, #tpu.memory_space<vmem>> -> memref<1x128xi32, #tpu.memory_space<vmem>>
      %dma_start3A_102 = tpu.memref_squeeze %dma_start3A_101 : memref<1x128xi32, #tpu.memory_space<vmem>> -> memref<128xi32, #tpu.memory_space<vmem>>
      %dma_start3A_103 = arith.constant 0 : i32
      %dma_start3A_104 = arith.constant 0 : i32
      %dma_start3A_105 = tpu.memref_slice %arg16[%dma_start3A_103, %dma_start3A_104] : memref<10240x64xf32, #tpu.memory_space<vmem_shared>> -> memref<10240x64xf32, #tpu.memory_space<vmem_shared>>
      tpu.enqueue_indirect_dma source(%arg11 : memref<128x64xf32, #tpu.memory_space<vmem>>) target(%dma_start3A_105 : memref<10240x64xf32, #tpu.memory_space<vmem_shared>>) offsets(%dma_start3A_102 : memref<128xi32, #tpu.memory_space<vmem>>) semaphore(%arg22 : memref<!tpu.dma_semaphore, #tpu.memory_space<semaphore_mem>>) {add = true}
      %get3A = arith.index_cast %add3A_93 : i32 to index
      %get3A_106 = arith.constant 0 : index
      %get3A_107 = tpu.vector_load %arg10[%get3A, %get3A_106] {strides = array<i32>} : memref<80x128xi32, #tpu.memory_space<vmem>>, vector<16xi32>,
      tpu.vector_store_idx %arg28[%get3A_107], %broadcast_in_dim3A_9 {add = true} : memref<10240xf32, #tpu.memory_space<vmem>>[vector<16xi32>], vector<16xf32>,
      %get3A_108 = arith.index_cast %add3A_93 : i32 to index
      %get3A_109 = arith.constant 16 : index
      %get3A_110 = tpu.vector_load %arg10[%get3A_108, %get3A_109] {strides = array<i32>} : memref<80x128xi32, #tpu.memory_space<vmem>>, vector<16xi32>,
      tpu.vector_store_idx %arg28[%get3A_110], %broadcast_in_dim3A_9 {add = true} : memref<10240xf32, #tpu.memory_space<vmem>>[vector<16xi32>], vector<16xf32>,
      %get3A_111 = arith.index_cast %add3A_93 : i32 to index
      %get3A_112 = arith.constant 32 : index
      %get3A_113 = tpu.vector_load %arg10[%get3A_111, %get3A_112] {strides = array<i32>} : memref<80x128xi32, #tpu.memory_space<vmem>>, vector<16xi32>,
      tpu.vector_store_idx %arg28[%get3A_113], %broadcast_in_dim3A_9 {add = true} : memref<10240xf32, #tpu.memory_space<vmem>>[vector<16xi32>], vector<16xf32>,
      %get3A_114 = arith.index_cast %add3A_93 : i32 to index
      %get3A_115 = arith.constant 48 : index
      %get3A_116 = tpu.vector_load %arg10[%get3A_114, %get3A_115] {strides = array<i32>} : memref<80x128xi32, #tpu.memory_space<vmem>>, vector<16xi32>,
      tpu.vector_store_idx %arg28[%get3A_116], %broadcast_in_dim3A_9 {add = true} : memref<10240xf32, #tpu.memory_space<vmem>>[vector<16xi32>], vector<16xf32>,
      %get3A_117 = arith.index_cast %add3A_93 : i32 to index
      %get3A_118 = arith.constant 64 : index
      %get3A_119 = tpu.vector_load %arg10[%get3A_117, %get3A_118] {strides = array<i32>} : memref<80x128xi32, #tpu.memory_space<vmem>>, vector<16xi32>,
      tpu.vector_store_idx %arg28[%get3A_119], %broadcast_in_dim3A_9 {add = true} : memref<10240xf32, #tpu.memory_space<vmem>>[vector<16xi32>], vector<16xf32>,
      %get3A_120 = arith.index_cast %add3A_93 : i32 to index
      %get3A_121 = arith.constant 80 : index
      %get3A_122 = tpu.vector_load %arg10[%get3A_120, %get3A_121] {strides = array<i32>} : memref<80x128xi32, #tpu.memory_space<vmem>>, vector<16xi32>,
      tpu.vector_store_idx %arg28[%get3A_122], %broadcast_in_dim3A_9 {add = true} : memref<10240xf32, #tpu.memory_space<vmem>>[vector<16xi32>], vector<16xf32>,
      %get3A_123 = arith.index_cast %add3A_93 : i32 to index
      %get3A_124 = arith.constant 96 : index
      %get3A_125 = tpu.vector_load %arg10[%get3A_123, %get3A_124] {strides = array<i32>} : memref<80x128xi32, #tpu.memory_space<vmem>>, vector<16xi32>,
      tpu.vector_store_idx %arg28[%get3A_125], %broadcast_in_dim3A_9 {add = true} : memref<10240xf32, #tpu.memory_space<vmem>>[vector<16xi32>], vector<16xf32>,
      %get3A_126 = arith.index_cast %add3A_93 : i32 to index
      %get3A_127 = arith.constant 112 : index
      %get3A_128 = tpu.vector_load %arg10[%get3A_126, %get3A_127] {strides = array<i32>} : memref<80x128xi32, #tpu.memory_space<vmem>>, vector<16xi32>,
      tpu.vector_store_idx %arg28[%get3A_128], %broadcast_in_dim3A_9 {add = true} : memref<10240xf32, #tpu.memory_space<vmem>>[vector<16xi32>], vector<16xf32>,
      %lt3A = arith.constant 15 : i32
      %lt3A_129 = arith.cmpi slt, %add3A_89, %lt3A : i32
      %convert_element_type3A = arith.extui %lt3A_129 : i1 to i32
      %cond3A = arith.constant 0 : i32
      %cond3A_130 = arith.cmpi ne, %convert_element_type3A, %cond3A : i32
      scf.if %cond3A_130 {
        %dma_wait3A_311 = arith.constant 0 : i32
        %dma_wait3A_312 = tpu.memref_slice %arg9[%add3A_93, %dma_wait3A_311] : memref<80x128xi32, #tpu.memory_space<vmem>> -> memref<1x128xi32, #tpu.memory_space<vmem>>
        %dma_wait3A_313 = tpu.memref_squeeze %dma_wait3A_312 : memref<1x128xi32, #tpu.memory_space<vmem>> -> memref<128xi32, #tpu.memory_space<vmem>>
        %dma_wait3A_314 = arith.constant 0 : i32
        %dma_wait3A_315 = arith.constant 0 : i32
        %dma_wait3A_316 = tpu.memref_slice %arg2[%dma_wait3A_314, %dma_wait3A_315] : memref<10240x64xf32, #tpu.memory_space<hbm>> -> memref<10240x64xf32, #tpu.memory_space<hbm>>
        tpu.wait_indirect_dma semaphore(%arg22 : memref<!tpu.dma_semaphore, #tpu.memory_space<semaphore_mem>>) src(%dma_wait3A_316 : memref<10240x64xf32, #tpu.memory_space<hbm>>) dst(%arg11 : memref<128x64xf32, #tpu.memory_space<vmem>>)
        %add3A_317 = arith.constant 5 : i32
        %add3A_318 = arith.addi %add3A_93, %add3A_317 : i32
        %dma_start3A_319 = arith.constant 0 : i32
        %dma_start3A_320 = tpu.memref_slice %arg9[%add3A_318, %dma_start3A_319] : memref<80x128xi32, #tpu.memory_space<vmem>> -> memref<1x128xi32, #tpu.memory_space<vmem>>
        %dma_start3A_321 = tpu.memref_squeeze %dma_start3A_320 : memref<1x128xi32, #tpu.memory_space<vmem>> -> memref<128xi32, #tpu.memory_space<vmem>>
        %dma_start3A_322 = arith.constant 0 : i32
        %dma_start3A_323 = arith.constant 0 : i32
        %dma_start3A_324 = tpu.memref_slice %arg2[%dma_start3A_322, %dma_start3A_323] : memref<10240x64xf32, #tpu.memory_space<hbm>> -> memref<10240x64xf32, #tpu.memory_space<hbm>>
        tpu.enqueue_indirect_dma source(%dma_start3A_324 : memref<10240x64xf32, #tpu.memory_space<hbm>>) target(%arg11 : memref<128x64xf32, #tpu.memory_space<vmem>>) offsets(%dma_start3A_321 : memref<128xi32, #tpu.memory_space<vmem>>) semaphore(%arg17 : memref<!tpu.dma_semaphore, #tpu.memory_space<semaphore_mem>>)
      } else {
      }
      %mul3A_131 = arith.constant 5 : i32
      %mul3A_132 = arith.muli %add3A_89, %mul3A_131 : i32
      %add3A_133 = arith.constant 1 : i32
      %add3A_134 = arith.addi %mul3A_132, %add3A_133 : i32
      %dma_wait3A_135 = arith.constant 0 : i32
      %dma_wait3A_136 = tpu.memref_slice %arg9[%add3A_134, %dma_wait3A_135] : memref<80x128xi32, #tpu.memory_space<vmem>> -> memref<1x128xi32, #tpu.memory_space<vmem>>
      %dma_wait3A_137 = tpu.memref_squeeze %dma_wait3A_136 : memref<1x128xi32, #tpu.memory_space<vmem>> -> memref<128xi32, #tpu.memory_space<vmem>>
      %dma_wait3A_138 = arith.constant 0 : i32
      %dma_wait3A_139 = arith.constant 0 : i32
      %dma_wait3A_140 = tpu.memref_slice %arg2[%dma_wait3A_138, %dma_wait3A_139] : memref<10240x64xf32, #tpu.memory_space<hbm>> -> memref<10240x64xf32, #tpu.memory_space<hbm>>
      tpu.wait_indirect_dma semaphore(%arg18 : memref<!tpu.dma_semaphore, #tpu.memory_space<semaphore_mem>>) src(%dma_wait3A_140 : memref<10240x64xf32, #tpu.memory_space<hbm>>) dst(%arg12 : memref<128x64xf32, #tpu.memory_space<vmem>>)
      %dma_start3A_141 = arith.constant 0 : i32
      %dma_start3A_142 = tpu.memref_slice %arg10[%add3A_134, %dma_start3A_141] : memref<80x128xi32, #tpu.memory_space<vmem>> -> memref<1x128xi32, #tpu.memory_space<vmem>>
      %dma_start3A_143 = tpu.memref_squeeze %dma_start3A_142 : memref<1x128xi32, #tpu.memory_space<vmem>> -> memref<128xi32, #tpu.memory_space<vmem>>
      %dma_start3A_144 = arith.constant 0 : i32
      %dma_start3A_145 = arith.constant 0 : i32
      %dma_start3A_146 = tpu.memref_slice %arg16[%dma_start3A_144, %dma_start3A_145] : memref<10240x64xf32, #tpu.memory_space<vmem_shared>> -> memref<10240x64xf32, #tpu.memory_space<vmem_shared>>
      tpu.enqueue_indirect_dma source(%arg12 : memref<128x64xf32, #tpu.memory_space<vmem>>) target(%dma_start3A_146 : memref<10240x64xf32, #tpu.memory_space<vmem_shared>>) offsets(%dma_start3A_143 : memref<128xi32, #tpu.memory_space<vmem>>) semaphore(%arg23 : memref<!tpu.dma_semaphore, #tpu.memory_space<semaphore_mem>>) {add = true}
      %get3A_147 = arith.index_cast %add3A_134 : i32 to index
      %get3A_148 = arith.constant 0 : index
      %get3A_149 = tpu.vector_load %arg10[%get3A_147, %get3A_148] {strides = array<i32>} : memref<80x128xi32, #tpu.memory_space<vmem>>, vector<16xi32>,
      tpu.vector_store_idx %arg28[%get3A_149], %broadcast_in_dim3A_9 {add = true} : memref<10240xf32, #tpu.memory_space<vmem>>[vector<16xi32>], vector<16xf32>,
      %get3A_150 = arith.index_cast %add3A_134 : i32 to index
      %get3A_151 = arith.constant 16 : index
      %get3A_152 = tpu.vector_load %arg10[%get3A_150, %get3A_151] {strides = array<i32>} : memref<80x128xi32, #tpu.memory_space<vmem>>, vector<16xi32>,
      tpu.vector_store_idx %arg28[%get3A_152], %broadcast_in_dim3A_9 {add = true} : memref<10240xf32, #tpu.memory_space<vmem>>[vector<16xi32>], vector<16xf32>,
      %get3A_153 = arith.index_cast %add3A_134 : i32 to index
      %get3A_154 = arith.constant 32 : index
      %get3A_155 = tpu.vector_load %arg10[%get3A_153, %get3A_154] {strides = array<i32>} : memref<80x128xi32, #tpu.memory_space<vmem>>, vector<16xi32>,
      tpu.vector_store_idx %arg28[%get3A_155], %broadcast_in_dim3A_9 {add = true} : memref<10240xf32, #tpu.memory_space<vmem>>[vector<16xi32>], vector<16xf32>,
      %get3A_156 = arith.index_cast %add3A_134 : i32 to index
      %get3A_157 = arith.constant 48 : index
      %get3A_158 = tpu.vector_load %arg10[%get3A_156, %get3A_157] {strides = array<i32>} : memref<80x128xi32, #tpu.memory_space<vmem>>, vector<16xi32>,
      tpu.vector_store_idx %arg28[%get3A_158], %broadcast_in_dim3A_9 {add = true} : memref<10240xf32, #tpu.memory_space<vmem>>[vector<16xi32>], vector<16xf32>,
      %get3A_159 = arith.index_cast %add3A_134 : i32 to index
      %get3A_160 = arith.constant 64 : index
      %get3A_161 = tpu.vector_load %arg10[%get3A_159, %get3A_160] {strides = array<i32>} : memref<80x128xi32, #tpu.memory_space<vmem>>, vector<16xi32>,
      tpu.vector_store_idx %arg28[%get3A_161], %broadcast_in_dim3A_9 {add = true} : memref<10240xf32, #tpu.memory_space<vmem>>[vector<16xi32>], vector<16xf32>,
      %get3A_162 = arith.index_cast %add3A_134 : i32 to index
      %get3A_163 = arith.constant 80 : index
      %get3A_164 = tpu.vector_load %arg10[%get3A_162, %get3A_163] {strides = array<i32>} : memref<80x128xi32, #tpu.memory_space<vmem>>, vector<16xi32>,
      tpu.vector_store_idx %arg28[%get3A_164], %broadcast_in_dim3A_9 {add = true} : memref<10240xf32, #tpu.memory_space<vmem>>[vector<16xi32>], vector<16xf32>,
      %get3A_165 = arith.index_cast %add3A_134 : i32 to index
      %get3A_166 = arith.constant 96 : index
      %get3A_167 = tpu.vector_load %arg10[%get3A_165, %get3A_166] {strides = array<i32>} : memref<80x128xi32, #tpu.memory_space<vmem>>, vector<16xi32>,
      tpu.vector_store_idx %arg28[%get3A_167], %broadcast_in_dim3A_9 {add = true} : memref<10240xf32, #tpu.memory_space<vmem>>[vector<16xi32>], vector<16xf32>,
      %get3A_168 = arith.index_cast %add3A_134 : i32 to index
      %get3A_169 = arith.constant 112 : index
      %get3A_170 = tpu.vector_load %arg10[%get3A_168, %get3A_169] {strides = array<i32>} : memref<80x128xi32, #tpu.memory_space<vmem>>, vector<16xi32>,
      tpu.vector_store_idx %arg28[%get3A_170], %broadcast_in_dim3A_9 {add = true} : memref<10240xf32, #tpu.memory_space<vmem>>[vector<16xi32>], vector<16xf32>,
      %lt3A_171 = arith.constant 15 : i32
      %lt3A_172 = arith.cmpi slt, %add3A_89, %lt3A_171 : i32
      %convert_element_type3A_173 = arith.extui %lt3A_172 : i1 to i32
      %cond3A_174 = arith.constant 0 : i32
      %cond3A_175 = arith.cmpi ne, %convert_element_type3A_173, %cond3A_174 : i32
      scf.if %cond3A_175 {
        %dma_wait3A_311 = arith.constant 0 : i32
        %dma_wait3A_312 = tpu.memref_slice %arg9[%add3A_134, %dma_wait3A_311] : memref<80x128xi32, #tpu.memory_space<vmem>> -> memref<1x128xi32, #tpu.memory_space<vmem>>
        %dma_wait3A_313 = tpu.memref_squeeze %dma_wait3A_312 : memref<1x128xi32, #tpu.memory_space<vmem>> -> memref<128xi32, #tpu.memory_space<vmem>>
        %dma_wait3A_314 = arith.constant 0 : i32
        %dma_wait3A_315 = arith.constant 0 : i32
        %dma_wait3A_316 = tpu.memref_slice %arg2[%dma_wait3A_314, %dma_wait3A_315] : memref<10240x64xf32, #tpu.memory_space<hbm>> -> memref<10240x64xf32, #tpu.memory_space<hbm>>
        tpu.wait_indirect_dma semaphore(%arg23 : memref<!tpu.dma_semaphore, #tpu.memory_space<semaphore_mem>>) src(%dma_wait3A_316 : memref<10240x64xf32, #tpu.memory_space<hbm>>) dst(%arg12 : memref<128x64xf32, #tpu.memory_space<vmem>>)
        %add3A_317 = arith.constant 5 : i32
        %add3A_318 = arith.addi %add3A_134, %add3A_317 : i32
        %dma_start3A_319 = arith.constant 0 : i32
        %dma_start3A_320 = tpu.memref_slice %arg9[%add3A_318, %dma_start3A_319] : memref<80x128xi32, #tpu.memory_space<vmem>> -> memref<1x128xi32, #tpu.memory_space<vmem>>
        %dma_start3A_321 = tpu.memref_squeeze %dma_start3A_320 : memref<1x128xi32, #tpu.memory_space<vmem>> -> memref<128xi32, #tpu.memory_space<vmem>>
        %dma_start3A_322 = arith.constant 0 : i32
        %dma_start3A_323 = arith.constant 0 : i32
        %dma_start3A_324 = tpu.memref_slice %arg2[%dma_start3A_322, %dma_start3A_323] : memref<10240x64xf32, #tpu.memory_space<hbm>> -> memref<10240x64xf32, #tpu.memory_space<hbm>>
        tpu.enqueue_indirect_dma source(%dma_start3A_324 : memref<10240x64xf32, #tpu.memory_space<hbm>>) target(%arg12 : memref<128x64xf32, #tpu.memory_space<vmem>>) offsets(%dma_start3A_321 : memref<128xi32, #tpu.memory_space<vmem>>) semaphore(%arg18 : memref<!tpu.dma_semaphore, #tpu.memory_space<semaphore_mem>>)
      } else {
      }
      %mul3A_176 = arith.constant 5 : i32
      %mul3A_177 = arith.muli %add3A_89, %mul3A_176 : i32
      %add3A_178 = arith.constant 2 : i32
      %add3A_179 = arith.addi %mul3A_177, %add3A_178 : i32
      %dma_wait3A_180 = arith.constant 0 : i32
      %dma_wait3A_181 = tpu.memref_slice %arg9[%add3A_179, %dma_wait3A_180] : memref<80x128xi32, #tpu.memory_space<vmem>> -> memref<1x128xi32, #tpu.memory_space<vmem>>
      %dma_wait3A_182 = tpu.memref_squeeze %dma_wait3A_181 : memref<1x128xi32, #tpu.memory_space<vmem>> -> memref<128xi32, #tpu.memory_space<vmem>>
      %dma_wait3A_183 = arith.constant 0 : i32
      %dma_wait3A_184 = arith.constant 0 : i32
      %dma_wait3A_185 = tpu.memref_slice %arg2[%dma_wait3A_183, %dma_wait3A_184] : memref<10240x64xf32, #tpu.memory_space<hbm>> -> memref<10240x64xf32, #tpu.memory_space<hbm>>
      tpu.wait_indirect_dma semaphore(%arg19 : memref<!tpu.dma_semaphore, #tpu.memory_space<semaphore_mem>>) src(%dma_wait3A_185 : memref<10240x64xf32, #tpu.memory_space<hbm>>) dst(%arg13 : memref<128x64xf32, #tpu.memory_space<vmem>>)
      %dma_start3A_186 = arith.constant 0 : i32
      %dma_start3A_187 = tpu.memref_slice %arg10[%add3A_179, %dma_start3A_186] : memref<80x128xi32, #tpu.memory_space<vmem>> -> memref<1x128xi32, #tpu.memory_space<vmem>>
      %dma_start3A_188 = tpu.memref_squeeze %dma_start3A_187 : memref<1x128xi32, #tpu.memory_space<vmem>> -> memref<128xi32, #tpu.memory_space<vmem>>
      %dma_start3A_189 = arith.constant 0 : i32
      %dma_start3A_190 = arith.constant 0 : i32
      %dma_start3A_191 = tpu.memref_slice %arg16[%dma_start3A_189, %dma_start3A_190] : memref<10240x64xf32, #tpu.memory_space<vmem_shared>> -> memref<10240x64xf32, #tpu.memory_space<vmem_shared>>
      tpu.enqueue_indirect_dma source(%arg13 : memref<128x64xf32, #tpu.memory_space<vmem>>) target(%dma_start3A_191 : memref<10240x64xf32, #tpu.memory_space<vmem_shared>>) offsets(%dma_start3A_188 : memref<128xi32, #tpu.memory_space<vmem>>) semaphore(%arg24 : memref<!tpu.dma_semaphore, #tpu.memory_space<semaphore_mem>>) {add = true}
      %get3A_192 = arith.index_cast %add3A_179 : i32 to index
      %get3A_193 = arith.constant 0 : index
      %get3A_194 = tpu.vector_load %arg10[%get3A_192, %get3A_193] {strides = array<i32>} : memref<80x128xi32, #tpu.memory_space<vmem>>, vector<16xi32>,
      tpu.vector_store_idx %arg28[%get3A_194], %broadcast_in_dim3A_9 {add = true} : memref<10240xf32, #tpu.memory_space<vmem>>[vector<16xi32>], vector<16xf32>,
      %get3A_195 = arith.index_cast %add3A_179 : i32 to index
      %get3A_196 = arith.constant 16 : index
      %get3A_197 = tpu.vector_load %arg10[%get3A_195, %get3A_196] {strides = array<i32>} : memref<80x128xi32, #tpu.memory_space<vmem>>, vector<16xi32>,
      tpu.vector_store_idx %arg28[%get3A_197], %broadcast_in_dim3A_9 {add = true} : memref<10240xf32, #tpu.memory_space<vmem>>[vector<16xi32>], vector<16xf32>,
      %get3A_198 = arith.index_cast %add3A_179 : i32 to index
      %get3A_199 = arith.constant 32 : index
      %get3A_200 = tpu.vector_load %arg10[%get3A_198, %get3A_199] {strides = array<i32>} : memref<80x128xi32, #tpu.memory_space<vmem>>, vector<16xi32>,
      tpu.vector_store_idx %arg28[%get3A_200], %broadcast_in_dim3A_9 {add = true} : memref<10240xf32, #tpu.memory_space<vmem>>[vector<16xi32>], vector<16xf32>,
      %get3A_201 = arith.index_cast %add3A_179 : i32 to index
      %get3A_202 = arith.constant 48 : index
      %get3A_203 = tpu.vector_load %arg10[%get3A_201, %get3A_202] {strides = array<i32>} : memref<80x128xi32, #tpu.memory_space<vmem>>, vector<16xi32>,
      tpu.vector_store_idx %arg28[%get3A_203], %broadcast_in_dim3A_9 {add = true} : memref<10240xf32, #tpu.memory_space<vmem>>[vector<16xi32>], vector<16xf32>,
      %get3A_204 = arith.index_cast %add3A_179 : i32 to index
      %get3A_205 = arith.constant 64 : index
      %get3A_206 = tpu.vector_load %arg10[%get3A_204, %get3A_205] {strides = array<i32>} : memref<80x128xi32, #tpu.memory_space<vmem>>, vector<16xi32>,
      tpu.vector_store_idx %arg28[%get3A_206], %broadcast_in_dim3A_9 {add = true} : memref<10240xf32, #tpu.memory_space<vmem>>[vector<16xi32>], vector<16xf32>,
      %get3A_207 = arith.index_cast %add3A_179 : i32 to index
      %get3A_208 = arith.constant 80 : index
      %get3A_209 = tpu.vector_load %arg10[%get3A_207, %get3A_208] {strides = array<i32>} : memref<80x128xi32, #tpu.memory_space<vmem>>, vector<16xi32>,
      tpu.vector_store_idx %arg28[%get3A_209], %broadcast_in_dim3A_9 {add = true} : memref<10240xf32, #tpu.memory_space<vmem>>[vector<16xi32>], vector<16xf32>,
      %get3A_210 = arith.index_cast %add3A_179 : i32 to index
      %get3A_211 = arith.constant 96 : index
      %get3A_212 = tpu.vector_load %arg10[%get3A_210, %get3A_211] {strides = array<i32>} : memref<80x128xi32, #tpu.memory_space<vmem>>, vector<16xi32>,
      tpu.vector_store_idx %arg28[%get3A_212], %broadcast_in_dim3A_9 {add = true} : memref<10240xf32, #tpu.memory_space<vmem>>[vector<16xi32>], vector<16xf32>,
      %get3A_213 = arith.index_cast %add3A_179 : i32 to index
      %get3A_214 = arith.constant 112 : index
      %get3A_215 = tpu.vector_load %arg10[%get3A_213, %get3A_214] {strides = array<i32>} : memref<80x128xi32, #tpu.memory_space<vmem>>, vector<16xi32>,
      tpu.vector_store_idx %arg28[%get3A_215], %broadcast_in_dim3A_9 {add = true} : memref<10240xf32, #tpu.memory_space<vmem>>[vector<16xi32>], vector<16xf32>,
      %lt3A_216 = arith.constant 15 : i32
      %lt3A_217 = arith.cmpi slt, %add3A_89, %lt3A_216 : i32
      %convert_element_type3A_218 = arith.extui %lt3A_217 : i1 to i32
      %cond3A_219 = arith.constant 0 : i32
      %cond3A_220 = arith.cmpi ne, %convert_element_type3A_218, %cond3A_219 : i32
      scf.if %cond3A_220 {
        %dma_wait3A_311 = arith.constant 0 : i32
        %dma_wait3A_312 = tpu.memref_slice %arg9[%add3A_179, %dma_wait3A_311] : memref<80x128xi32, #tpu.memory_space<vmem>> -> memref<1x128xi32, #tpu.memory_space<vmem>>
        %dma_wait3A_313 = tpu.memref_squeeze %dma_wait3A_312 : memref<1x128xi32, #tpu.memory_space<vmem>> -> memref<128xi32, #tpu.memory_space<vmem>>
        %dma_wait3A_314 = arith.constant 0 : i32
        %dma_wait3A_315 = arith.constant 0 : i32
        %dma_wait3A_316 = tpu.memref_slice %arg2[%dma_wait3A_314, %dma_wait3A_315] : memref<10240x64xf32, #tpu.memory_space<hbm>> -> memref<10240x64xf32, #tpu.memory_space<hbm>>
        tpu.wait_indirect_dma semaphore(%arg24 : memref<!tpu.dma_semaphore, #tpu.memory_space<semaphore_mem>>) src(%dma_wait3A_316 : memref<10240x64xf32, #tpu.memory_space<hbm>>) dst(%arg13 : memref<128x64xf32, #tpu.memory_space<vmem>>)
        %add3A_317 = arith.constant 5 : i32
        %add3A_318 = arith.addi %add3A_179, %add3A_317 : i32
        %dma_start3A_319 = arith.constant 0 : i32
        %dma_start3A_320 = tpu.memref_slice %arg9[%add3A_318, %dma_start3A_319] : memref<80x128xi32, #tpu.memory_space<vmem>> -> memref<1x128xi32, #tpu.memory_space<vmem>>
        %dma_start3A_321 = tpu.memref_squeeze %dma_start3A_320 : memref<1x128xi32, #tpu.memory_space<vmem>> -> memref<128xi32, #tpu.memory_space<vmem>>
        %dma_start3A_322 = arith.constant 0 : i32
        %dma_start3A_323 = arith.constant 0 : i32
        %dma_start3A_324 = tpu.memref_slice %arg2[%dma_start3A_322, %dma_start3A_323] : memref<10240x64xf32, #tpu.memory_space<hbm>> -> memref<10240x64xf32, #tpu.memory_space<hbm>>
        tpu.enqueue_indirect_dma source(%dma_start3A_324 : memref<10240x64xf32, #tpu.memory_space<hbm>>) target(%arg13 : memref<128x64xf32, #tpu.memory_space<vmem>>) offsets(%dma_start3A_321 : memref<128xi32, #tpu.memory_space<vmem>>) semaphore(%arg19 : memref<!tpu.dma_semaphore, #tpu.memory_space<semaphore_mem>>)
      } else {
      }
      %mul3A_221 = arith.constant 5 : i32
      %mul3A_222 = arith.muli %add3A_89, %mul3A_221 : i32
      %add3A_223 = arith.constant 3 : i32
      %add3A_224 = arith.addi %mul3A_222, %add3A_223 : i32
      %dma_wait3A_225 = arith.constant 0 : i32
      %dma_wait3A_226 = tpu.memref_slice %arg9[%add3A_224, %dma_wait3A_225] : memref<80x128xi32, #tpu.memory_space<vmem>> -> memref<1x128xi32, #tpu.memory_space<vmem>>
      %dma_wait3A_227 = tpu.memref_squeeze %dma_wait3A_226 : memref<1x128xi32, #tpu.memory_space<vmem>> -> memref<128xi32, #tpu.memory_space<vmem>>
      %dma_wait3A_228 = arith.constant 0 : i32
      %dma_wait3A_229 = arith.constant 0 : i32
      %dma_wait3A_230 = tpu.memref_slice %arg2[%dma_wait3A_228, %dma_wait3A_229] : memref<10240x64xf32, #tpu.memory_space<hbm>> -> memref<10240x64xf32, #tpu.memory_space<hbm>>
      tpu.wait_indirect_dma semaphore(%arg20 : memref<!tpu.dma_semaphore, #tpu.memory_space<semaphore_mem>>) src(%dma_wait3A_230 : memref<10240x64xf32, #tpu.memory_space<hbm>>) dst(%arg14 : memref<128x64xf32, #tpu.memory_space<vmem>>)
      %dma_start3A_231 = arith.constant 0 : i32
      %dma_start3A_232 = tpu.memref_slice %arg10[%add3A_224, %dma_start3A_231] : memref<80x128xi32, #tpu.memory_space<vmem>> -> memref<1x128xi32, #tpu.memory_space<vmem>>
      %dma_start3A_233 = tpu.memref_squeeze %dma_start3A_232 : memref<1x128xi32, #tpu.memory_space<vmem>> -> memref<128xi32, #tpu.memory_space<vmem>>
      %dma_start3A_234 = arith.constant 0 : i32
      %dma_start3A_235 = arith.constant 0 : i32
      %dma_start3A_236 = tpu.memref_slice %arg16[%dma_start3A_234, %dma_start3A_235] : memref<10240x64xf32, #tpu.memory_space<vmem_shared>> -> memref<10240x64xf32, #tpu.memory_space<vmem_shared>>
      tpu.enqueue_indirect_dma source(%arg14 : memref<128x64xf32, #tpu.memory_space<vmem>>) target(%dma_start3A_236 : memref<10240x64xf32, #tpu.memory_space<vmem_shared>>) offsets(%dma_start3A_233 : memref<128xi32, #tpu.memory_space<vmem>>) semaphore(%arg25 : memref<!tpu.dma_semaphore, #tpu.memory_space<semaphore_mem>>) {add = true}
      %get3A_237 = arith.index_cast %add3A_224 : i32 to index
      %get3A_238 = arith.constant 0 : index
      %get3A_239 = tpu.vector_load %arg10[%get3A_237, %get3A_238] {strides = array<i32>} : memref<80x128xi32, #tpu.memory_space<vmem>>, vector<16xi32>,
      tpu.vector_store_idx %arg28[%get3A_239], %broadcast_in_dim3A_9 {add = true} : memref<10240xf32, #tpu.memory_space<vmem>>[vector<16xi32>], vector<16xf32>,
      %get3A_240 = arith.index_cast %add3A_224 : i32 to index
      %get3A_241 = arith.constant 16 : index
      %get3A_242 = tpu.vector_load %arg10[%get3A_240, %get3A_241] {strides = array<i32>} : memref<80x128xi32, #tpu.memory_space<vmem>>, vector<16xi32>,
      tpu.vector_store_idx %arg28[%get3A_242], %broadcast_in_dim3A_9 {add = true} : memref<10240xf32, #tpu.memory_space<vmem>>[vector<16xi32>], vector<16xf32>,
      %get3A_243 = arith.index_cast %add3A_224 : i32 to index
      %get3A_244 = arith.constant 32 : index
      %get3A_245 = tpu.vector_load %arg10[%get3A_243, %get3A_244] {strides = array<i32>} : memref<80x128xi32, #tpu.memory_space<vmem>>, vector<16xi32>,
      tpu.vector_store_idx %arg28[%get3A_245], %broadcast_in_dim3A_9 {add = true} : memref<10240xf32, #tpu.memory_space<vmem>>[vector<16xi32>], vector<16xf32>,
      %get3A_246 = arith.index_cast %add3A_224 : i32 to index
      %get3A_247 = arith.constant 48 : index
      %get3A_248 = tpu.vector_load %arg10[%get3A_246, %get3A_247] {strides = array<i32>} : memref<80x128xi32, #tpu.memory_space<vmem>>, vector<16xi32>,
      tpu.vector_store_idx %arg28[%get3A_248], %broadcast_in_dim3A_9 {add = true} : memref<10240xf32, #tpu.memory_space<vmem>>[vector<16xi32>], vector<16xf32>,
      %get3A_249 = arith.index_cast %add3A_224 : i32 to index
      %get3A_250 = arith.constant 64 : index
      %get3A_251 = tpu.vector_load %arg10[%get3A_249, %get3A_250] {strides = array<i32>} : memref<80x128xi32, #tpu.memory_space<vmem>>, vector<16xi32>,
      tpu.vector_store_idx %arg28[%get3A_251], %broadcast_in_dim3A_9 {add = true} : memref<10240xf32, #tpu.memory_space<vmem>>[vector<16xi32>], vector<16xf32>,
      %get3A_252 = arith.index_cast %add3A_224 : i32 to index
      %get3A_253 = arith.constant 80 : index
      %get3A_254 = tpu.vector_load %arg10[%get3A_252, %get3A_253] {strides = array<i32>} : memref<80x128xi32, #tpu.memory_space<vmem>>, vector<16xi32>,
      tpu.vector_store_idx %arg28[%get3A_254], %broadcast_in_dim3A_9 {add = true} : memref<10240xf32, #tpu.memory_space<vmem>>[vector<16xi32>], vector<16xf32>,
      %get3A_255 = arith.index_cast %add3A_224 : i32 to index
      %get3A_256 = arith.constant 96 : index
      %get3A_257 = tpu.vector_load %arg10[%get3A_255, %get3A_256] {strides = array<i32>} : memref<80x128xi32, #tpu.memory_space<vmem>>, vector<16xi32>,
      tpu.vector_store_idx %arg28[%get3A_257], %broadcast_in_dim3A_9 {add = true} : memref<10240xf32, #tpu.memory_space<vmem>>[vector<16xi32>], vector<16xf32>,
      %get3A_258 = arith.index_cast %add3A_224 : i32 to index
      %get3A_259 = arith.constant 112 : index
      %get3A_260 = tpu.vector_load %arg10[%get3A_258, %get3A_259] {strides = array<i32>} : memref<80x128xi32, #tpu.memory_space<vmem>>, vector<16xi32>,
      tpu.vector_store_idx %arg28[%get3A_260], %broadcast_in_dim3A_9 {add = true} : memref<10240xf32, #tpu.memory_space<vmem>>[vector<16xi32>], vector<16xf32>,
      %lt3A_261 = arith.constant 15 : i32
      %lt3A_262 = arith.cmpi slt, %add3A_89, %lt3A_261 : i32
      %convert_element_type3A_263 = arith.extui %lt3A_262 : i1 to i32
      %cond3A_264 = arith.constant 0 : i32
      %cond3A_265 = arith.cmpi ne, %convert_element_type3A_263, %cond3A_264 : i32
      scf.if %cond3A_265 {
        %dma_wait3A_311 = arith.constant 0 : i32
        %dma_wait3A_312 = tpu.memref_slice %arg9[%add3A_224, %dma_wait3A_311] : memref<80x128xi32, #tpu.memory_space<vmem>> -> memref<1x128xi32, #tpu.memory_space<vmem>>
        %dma_wait3A_313 = tpu.memref_squeeze %dma_wait3A_312 : memref<1x128xi32, #tpu.memory_space<vmem>> -> memref<128xi32, #tpu.memory_space<vmem>>
        %dma_wait3A_314 = arith.constant 0 : i32
        %dma_wait3A_315 = arith.constant 0 : i32
        %dma_wait3A_316 = tpu.memref_slice %arg2[%dma_wait3A_314, %dma_wait3A_315] : memref<10240x64xf32, #tpu.memory_space<hbm>> -> memref<10240x64xf32, #tpu.memory_space<hbm>>
        tpu.wait_indirect_dma semaphore(%arg25 : memref<!tpu.dma_semaphore, #tpu.memory_space<semaphore_mem>>) src(%dma_wait3A_316 : memref<10240x64xf32, #tpu.memory_space<hbm>>) dst(%arg14 : memref<128x64xf32, #tpu.memory_space<vmem>>)
        %add3A_317 = arith.constant 5 : i32
        %add3A_318 = arith.addi %add3A_224, %add3A_317 : i32
        %dma_start3A_319 = arith.constant 0 : i32
        %dma_start3A_320 = tpu.memref_slice %arg9[%add3A_318, %dma_start3A_319] : memref<80x128xi32, #tpu.memory_space<vmem>> -> memref<1x128xi32, #tpu.memory_space<vmem>>
        %dma_start3A_321 = tpu.memref_squeeze %dma_start3A_320 : memref<1x128xi32, #tpu.memory_space<vmem>> -> memref<128xi32, #tpu.memory_space<vmem>>
        %dma_start3A_322 = arith.constant 0 : i32
        %dma_start3A_323 = arith.constant 0 : i32
        %dma_start3A_324 = tpu.memref_slice %arg2[%dma_start3A_322, %dma_start3A_323] : memref<10240x64xf32, #tpu.memory_space<hbm>> -> memref<10240x64xf32, #tpu.memory_space<hbm>>
        tpu.enqueue_indirect_dma source(%dma_start3A_324 : memref<10240x64xf32, #tpu.memory_space<hbm>>) target(%arg14 : memref<128x64xf32, #tpu.memory_space<vmem>>) offsets(%dma_start3A_321 : memref<128xi32, #tpu.memory_space<vmem>>) semaphore(%arg20 : memref<!tpu.dma_semaphore, #tpu.memory_space<semaphore_mem>>)
      } else {
      }
      %mul3A_266 = arith.constant 5 : i32
      %mul3A_267 = arith.muli %add3A_89, %mul3A_266 : i32
      %add3A_268 = arith.constant 4 : i32
      %add3A_269 = arith.addi %mul3A_267, %add3A_268 : i32
      %dma_wait3A_270 = arith.constant 0 : i32
      %dma_wait3A_271 = tpu.memref_slice %arg9[%add3A_269, %dma_wait3A_270] : memref<80x128xi32, #tpu.memory_space<vmem>> -> memref<1x128xi32, #tpu.memory_space<vmem>>
      %dma_wait3A_272 = tpu.memref_squeeze %dma_wait3A_271 : memref<1x128xi32, #tpu.memory_space<vmem>> -> memref<128xi32, #tpu.memory_space<vmem>>
      %dma_wait3A_273 = arith.constant 0 : i32
      %dma_wait3A_274 = arith.constant 0 : i32
      %dma_wait3A_275 = tpu.memref_slice %arg2[%dma_wait3A_273, %dma_wait3A_274] : memref<10240x64xf32, #tpu.memory_space<hbm>> -> memref<10240x64xf32, #tpu.memory_space<hbm>>
      tpu.wait_indirect_dma semaphore(%arg21 : memref<!tpu.dma_semaphore, #tpu.memory_space<semaphore_mem>>) src(%dma_wait3A_275 : memref<10240x64xf32, #tpu.memory_space<hbm>>) dst(%arg15 : memref<128x64xf32, #tpu.memory_space<vmem>>)
      %dma_start3A_276 = arith.constant 0 : i32
      %dma_start3A_277 = tpu.memref_slice %arg10[%add3A_269, %dma_start3A_276] : memref<80x128xi32, #tpu.memory_space<vmem>> -> memref<1x128xi32, #tpu.memory_space<vmem>>
      %dma_start3A_278 = tpu.memref_squeeze %dma_start3A_277 : memref<1x128xi32, #tpu.memory_space<vmem>> -> memref<128xi32, #tpu.memory_space<vmem>>
      %dma_start3A_279 = arith.constant 0 : i32
      %dma_start3A_280 = arith.constant 0 : i32
      %dma_start3A_281 = tpu.memref_slice %arg16[%dma_start3A_279, %dma_start3A_280] : memref<10240x64xf32, #tpu.memory_space<vmem_shared>> -> memref<10240x64xf32, #tpu.memory_space<vmem_shared>>
      tpu.enqueue_indirect_dma source(%arg15 : memref<128x64xf32, #tpu.memory_space<vmem>>) target(%dma_start3A_281 : memref<10240x64xf32, #tpu.memory_space<vmem_shared>>) offsets(%dma_start3A_278 : memref<128xi32, #tpu.memory_space<vmem>>) semaphore(%arg26 : memref<!tpu.dma_semaphore, #tpu.memory_space<semaphore_mem>>) {add = true}
      %get3A_282 = arith.index_cast %add3A_269 : i32 to index
      %get3A_283 = arith.constant 0 : index
      %get3A_284 = tpu.vector_load %arg10[%get3A_282, %get3A_283] {strides = array<i32>} : memref<80x128xi32, #tpu.memory_space<vmem>>, vector<16xi32>,
      tpu.vector_store_idx %arg28[%get3A_284], %broadcast_in_dim3A_9 {add = true} : memref<10240xf32, #tpu.memory_space<vmem>>[vector<16xi32>], vector<16xf32>,
      %get3A_285 = arith.index_cast %add3A_269 : i32 to index
      %get3A_286 = arith.constant 16 : index
      %get3A_287 = tpu.vector_load %arg10[%get3A_285, %get3A_286] {strides = array<i32>} : memref<80x128xi32, #tpu.memory_space<vmem>>, vector<16xi32>,
      tpu.vector_store_idx %arg28[%get3A_287], %broadcast_in_dim3A_9 {add = true} : memref<10240xf32, #tpu.memory_space<vmem>>[vector<16xi32>], vector<16xf32>,
      %get3A_288 = arith.index_cast %add3A_269 : i32 to index
      %get3A_289 = arith.constant 32 : index
      %get3A_290 = tpu.vector_load %arg10[%get3A_288, %get3A_289] {strides = array<i32>} : memref<80x128xi32, #tpu.memory_space<vmem>>, vector<16xi32>,
      tpu.vector_store_idx %arg28[%get3A_290], %broadcast_in_dim3A_9 {add = true} : memref<10240xf32, #tpu.memory_space<vmem>>[vector<16xi32>], vector<16xf32>,
      %get3A_291 = arith.index_cast %add3A_269 : i32 to index
      %get3A_292 = arith.constant 48 : index
      %get3A_293 = tpu.vector_load %arg10[%get3A_291, %get3A_292] {strides = array<i32>} : memref<80x128xi32, #tpu.memory_space<vmem>>, vector<16xi32>,
      tpu.vector_store_idx %arg28[%get3A_293], %broadcast_in_dim3A_9 {add = true} : memref<10240xf32, #tpu.memory_space<vmem>>[vector<16xi32>], vector<16xf32>,
      %get3A_294 = arith.index_cast %add3A_269 : i32 to index
      %get3A_295 = arith.constant 64 : index
      %get3A_296 = tpu.vector_load %arg10[%get3A_294, %get3A_295] {strides = array<i32>} : memref<80x128xi32, #tpu.memory_space<vmem>>, vector<16xi32>,
      tpu.vector_store_idx %arg28[%get3A_296], %broadcast_in_dim3A_9 {add = true} : memref<10240xf32, #tpu.memory_space<vmem>>[vector<16xi32>], vector<16xf32>,
      %get3A_297 = arith.index_cast %add3A_269 : i32 to index
      %get3A_298 = arith.constant 80 : index
      %get3A_299 = tpu.vector_load %arg10[%get3A_297, %get3A_298] {strides = array<i32>} : memref<80x128xi32, #tpu.memory_space<vmem>>, vector<16xi32>,
      tpu.vector_store_idx %arg28[%get3A_299], %broadcast_in_dim3A_9 {add = true} : memref<10240xf32, #tpu.memory_space<vmem>>[vector<16xi32>], vector<16xf32>,
      %get3A_300 = arith.index_cast %add3A_269 : i32 to index
      %get3A_301 = arith.constant 96 : index
      %get3A_302 = tpu.vector_load %arg10[%get3A_300, %get3A_301] {strides = array<i32>} : memref<80x128xi32, #tpu.memory_space<vmem>>, vector<16xi32>,
      tpu.vector_store_idx %arg28[%get3A_302], %broadcast_in_dim3A_9 {add = true} : memref<10240xf32, #tpu.memory_space<vmem>>[vector<16xi32>], vector<16xf32>,
      %get3A_303 = arith.index_cast %add3A_269 : i32 to index
      %get3A_304 = arith.constant 112 : index
      %get3A_305 = tpu.vector_load %arg10[%get3A_303, %get3A_304] {strides = array<i32>} : memref<80x128xi32, #tpu.memory_space<vmem>>, vector<16xi32>,
      tpu.vector_store_idx %arg28[%get3A_305], %broadcast_in_dim3A_9 {add = true} : memref<10240xf32, #tpu.memory_space<vmem>>[vector<16xi32>], vector<16xf32>,
      %lt3A_306 = arith.constant 15 : i32
      %lt3A_307 = arith.cmpi slt, %add3A_89, %lt3A_306 : i32
      %convert_element_type3A_308 = arith.extui %lt3A_307 : i1 to i32
      %cond3A_309 = arith.constant 0 : i32
      %cond3A_310 = arith.cmpi ne, %convert_element_type3A_308, %cond3A_309 : i32
      scf.if %cond3A_310 {
        %dma_wait3A_311 = arith.constant 0 : i32
        %dma_wait3A_312 = tpu.memref_slice %arg9[%add3A_269, %dma_wait3A_311] : memref<80x128xi32, #tpu.memory_space<vmem>> -> memref<1x128xi32, #tpu.memory_space<vmem>>
        %dma_wait3A_313 = tpu.memref_squeeze %dma_wait3A_312 : memref<1x128xi32, #tpu.memory_space<vmem>> -> memref<128xi32, #tpu.memory_space<vmem>>
        %dma_wait3A_314 = arith.constant 0 : i32
        %dma_wait3A_315 = arith.constant 0 : i32
        %dma_wait3A_316 = tpu.memref_slice %arg2[%dma_wait3A_314, %dma_wait3A_315] : memref<10240x64xf32, #tpu.memory_space<hbm>> -> memref<10240x64xf32, #tpu.memory_space<hbm>>
        tpu.wait_indirect_dma semaphore(%arg26 : memref<!tpu.dma_semaphore, #tpu.memory_space<semaphore_mem>>) src(%dma_wait3A_316 : memref<10240x64xf32, #tpu.memory_space<hbm>>) dst(%arg15 : memref<128x64xf32, #tpu.memory_space<vmem>>)
        %add3A_317 = arith.constant 5 : i32
        %add3A_318 = arith.addi %add3A_269, %add3A_317 : i32
        %dma_start3A_319 = arith.constant 0 : i32
        %dma_start3A_320 = tpu.memref_slice %arg9[%add3A_318, %dma_start3A_319] : memref<80x128xi32, #tpu.memory_space<vmem>> -> memref<1x128xi32, #tpu.memory_space<vmem>>
        %dma_start3A_321 = tpu.memref_squeeze %dma_start3A_320 : memref<1x128xi32, #tpu.memory_space<vmem>> -> memref<128xi32, #tpu.memory_space<vmem>>
        %dma_start3A_322 = arith.constant 0 : i32
        %dma_start3A_323 = arith.constant 0 : i32
        %dma_start3A_324 = tpu.memref_slice %arg2[%dma_start3A_322, %dma_start3A_323] : memref<10240x64xf32, #tpu.memory_space<hbm>> -> memref<10240x64xf32, #tpu.memory_space<hbm>>
        tpu.enqueue_indirect_dma source(%dma_start3A_324 : memref<10240x64xf32, #tpu.memory_space<hbm>>) target(%arg15 : memref<128x64xf32, #tpu.memory_space<vmem>>) offsets(%dma_start3A_321 : memref<128xi32, #tpu.memory_space<vmem>>) semaphore(%arg21 : memref<!tpu.dma_semaphore, #tpu.memory_space<semaphore_mem>>)
      } else {
      }
    }
    %scan3A_48 = arith.constant 16 : i32
    %dma_wait3A_49 = arith.constant 0 : i32
    %dma_wait3A_50 = arith.constant 0 : i32
    %dma_wait3A_51 = tpu.memref_slice %arg9[%dma_wait3A_49, %dma_wait3A_50] : memref<80x128xi32, #tpu.memory_space<vmem>> -> memref<1x128xi32, #tpu.memory_space<vmem>>
    %dma_wait3A_52 = tpu.memref_squeeze %dma_wait3A_51 : memref<1x128xi32, #tpu.memory_space<vmem>> -> memref<128xi32, #tpu.memory_space<vmem>>
    %dma_wait3A_53 = arith.constant 0 : i32
    %dma_wait3A_54 = arith.constant 0 : i32
    %dma_wait3A_55 = tpu.memref_slice %arg2[%dma_wait3A_53, %dma_wait3A_54] : memref<10240x64xf32, #tpu.memory_space<hbm>> -> memref<10240x64xf32, #tpu.memory_space<hbm>>
    tpu.wait_indirect_dma semaphore(%arg22 : memref<!tpu.dma_semaphore, #tpu.memory_space<semaphore_mem>>) src(%dma_wait3A_55 : memref<10240x64xf32, #tpu.memory_space<hbm>>) dst(%arg11 : memref<128x64xf32, #tpu.memory_space<vmem>>)
    %dma_wait3A_56 = arith.constant 1 : i32
    %dma_wait3A_57 = arith.constant 0 : i32
    %dma_wait3A_58 = tpu.memref_slice %arg9[%dma_wait3A_56, %dma_wait3A_57] : memref<80x128xi32, #tpu.memory_space<vmem>> -> memref<1x128xi32, #tpu.memory_space<vmem>>
    %dma_wait3A_59 = tpu.memref_squeeze %dma_wait3A_58 : memref<1x128xi32, #tpu.memory_space<vmem>> -> memref<128xi32, #tpu.memory_space<vmem>>
    %dma_wait3A_60 = arith.constant 0 : i32
    %dma_wait3A_61 = arith.constant 0 : i32
    %dma_wait3A_62 = tpu.memref_slice %arg2[%dma_wait3A_60, %dma_wait3A_61] : memref<10240x64xf32, #tpu.memory_space<hbm>> -> memref<10240x64xf32, #tpu.memory_space<hbm>>
    tpu.wait_indirect_dma semaphore(%arg23 : memref<!tpu.dma_semaphore, #tpu.memory_space<semaphore_mem>>) src(%dma_wait3A_62 : memref<10240x64xf32, #tpu.memory_space<hbm>>) dst(%arg12 : memref<128x64xf32, #tpu.memory_space<vmem>>)
    %dma_wait3A_63 = arith.constant 2 : i32
    %dma_wait3A_64 = arith.constant 0 : i32
    %dma_wait3A_65 = tpu.memref_slice %arg9[%dma_wait3A_63, %dma_wait3A_64] : memref<80x128xi32, #tpu.memory_space<vmem>> -> memref<1x128xi32, #tpu.memory_space<vmem>>
    %dma_wait3A_66 = tpu.memref_squeeze %dma_wait3A_65 : memref<1x128xi32, #tpu.memory_space<vmem>> -> memref<128xi32, #tpu.memory_space<vmem>>
    %dma_wait3A_67 = arith.constant 0 : i32
    %dma_wait3A_68 = arith.constant 0 : i32
    %dma_wait3A_69 = tpu.memref_slice %arg2[%dma_wait3A_67, %dma_wait3A_68] : memref<10240x64xf32, #tpu.memory_space<hbm>> -> memref<10240x64xf32, #tpu.memory_space<hbm>>
    tpu.wait_indirect_dma semaphore(%arg24 : memref<!tpu.dma_semaphore, #tpu.memory_space<semaphore_mem>>) src(%dma_wait3A_69 : memref<10240x64xf32, #tpu.memory_space<hbm>>) dst(%arg13 : memref<128x64xf32, #tpu.memory_space<vmem>>)
    %dma_wait3A_70 = arith.constant 3 : i32
    %dma_wait3A_71 = arith.constant 0 : i32
    %dma_wait3A_72 = tpu.memref_slice %arg9[%dma_wait3A_70, %dma_wait3A_71] : memref<80x128xi32, #tpu.memory_space<vmem>> -> memref<1x128xi32, #tpu.memory_space<vmem>>
    %dma_wait3A_73 = tpu.memref_squeeze %dma_wait3A_72 : memref<1x128xi32, #tpu.memory_space<vmem>> -> memref<128xi32, #tpu.memory_space<vmem>>
    %dma_wait3A_74 = arith.constant 0 : i32
    %dma_wait3A_75 = arith.constant 0 : i32
    %dma_wait3A_76 = tpu.memref_slice %arg2[%dma_wait3A_74, %dma_wait3A_75] : memref<10240x64xf32, #tpu.memory_space<hbm>> -> memref<10240x64xf32, #tpu.memory_space<hbm>>
    tpu.wait_indirect_dma semaphore(%arg25 : memref<!tpu.dma_semaphore, #tpu.memory_space<semaphore_mem>>) src(%dma_wait3A_76 : memref<10240x64xf32, #tpu.memory_space<hbm>>) dst(%arg14 : memref<128x64xf32, #tpu.memory_space<vmem>>)
    %dma_wait3A_77 = arith.constant 4 : i32
    %dma_wait3A_78 = arith.constant 0 : i32
    %dma_wait3A_79 = tpu.memref_slice %arg9[%dma_wait3A_77, %dma_wait3A_78] : memref<80x128xi32, #tpu.memory_space<vmem>> -> memref<1x128xi32, #tpu.memory_space<vmem>>
    %dma_wait3A_80 = tpu.memref_squeeze %dma_wait3A_79 : memref<1x128xi32, #tpu.memory_space<vmem>> -> memref<128xi32, #tpu.memory_space<vmem>>
    %dma_wait3A_81 = arith.constant 0 : i32
    %dma_wait3A_82 = arith.constant 0 : i32
    %dma_wait3A_83 = tpu.memref_slice %arg2[%dma_wait3A_81, %dma_wait3A_82] : memref<10240x64xf32, #tpu.memory_space<hbm>> -> memref<10240x64xf32, #tpu.memory_space<hbm>>
    tpu.wait_indirect_dma semaphore(%arg26 : memref<!tpu.dma_semaphore, #tpu.memory_space<semaphore_mem>>) src(%dma_wait3A_83 : memref<10240x64xf32, #tpu.memory_space<hbm>>) dst(%arg15 : memref<128x64xf32, #tpu.memory_space<vmem>>)
    %barrier3A_84 = arith.constant 0 : index
    tpu.barrier barrier_id(%barrier3A_84)
    "tpu.region"() ({
      %run_scoped3A = tpu.sem_alloc : memref<!tpu.dma_semaphore, #tpu.memory_space<semaphore_mem>>
      %dma_start3A_85 = arith.constant 0 : i32
      %dma_start3A_86 = tpu.memref_slice %arg7[%arg0, %mul3A_2, %dma_start3A_85] : memref<2x10240x64xf32, #tpu.memory_space<hbm>> -> memref<1x640x64xf32, #tpu.memory_space<hbm>>
      %dma_start3A_87 = tpu.memref_squeeze %dma_start3A_86 : memref<1x640x64xf32, #tpu.memory_space<hbm>> -> memref<640x64xf32, #tpu.memory_space<hbm>>
      %dma_start3A_88 = arith.constant 0 : i32
      %dma_start3A_89 = tpu.memref_slice %arg16[%mul3A_2, %dma_start3A_88] : memref<10240x64xf32, #tpu.memory_space<vmem_shared>> -> memref<640x64xf32, #tpu.memory_space<vmem_shared>>
      tpu.enqueue_dma source(%dma_start3A_89 : memref<640x64xf32, #tpu.memory_space<vmem_shared>>) target(%dma_start3A_87 : memref<640x64xf32, #tpu.memory_space<hbm>>) target_semaphore(%run_scoped3A : memref<!tpu.dma_semaphore, #tpu.memory_space<semaphore_mem>>)
      %dma_wait3A_90 = arith.constant 0 : i32
      %dma_wait3A_91 = tpu.memref_slice %arg7[%arg0, %mul3A_2, %dma_wait3A_90] : memref<2x10240x64xf32, #tpu.memory_space<hbm>> -> memref<1x640x64xf32, #tpu.memory_space<hbm>>
      %dma_wait3A_92 = tpu.memref_squeeze %dma_wait3A_91 : memref<1x640x64xf32, #tpu.memory_space<hbm>> -> memref<640x64xf32, #tpu.memory_space<hbm>>
      %dma_wait3A_93 = arith.constant 0 : i32
      %dma_wait3A_94 = tpu.memref_slice %arg16[%mul3A_2, %dma_wait3A_93] : memref<10240x64xf32, #tpu.memory_space<vmem_shared>> -> memref<640x64xf32, #tpu.memory_space<vmem_shared>>
      tpu.wait_dma2 semaphore(%run_scoped3A : memref<!tpu.dma_semaphore, #tpu.memory_space<semaphore_mem>>) src(%dma_wait3A_94 : memref<640x64xf32, #tpu.memory_space<vmem_shared>>) dst(%dma_wait3A_92 : memref<640x64xf32, #tpu.memory_space<hbm>>)
      tpu.yield
    }) : () -> ()
    "tpu.region"() ({
      %run_scoped3A = tpu.sem_alloc : memref<!tpu.dma_semaphore, #tpu.memory_space<semaphore_mem>>
      %dma_start3A_85 = arith.constant 0 : i32
      %dma_start3A_86 = tpu.memref_slice %arg8[%arg0, %arg1, %dma_start3A_85] : memref<2x16x10240xf32, #tpu.memory_space<hbm>> -> memref<1x1x10240xf32, #tpu.memory_space<hbm>>
      %dma_start3A_87 = tpu.memref_squeeze %dma_start3A_86 : memref<1x1x10240xf32, #tpu.memory_space<hbm>> -> memref<10240xf32, #tpu.memory_space<hbm>>
      %dma_start3A_88 = arith.constant 0 : i32
      %dma_start3A_89 = tpu.memref_slice %arg8[%arg0, %arg1, %dma_start3A_88] : memref<2x16x10240xf32, #tpu.memory_space<hbm>> -> memref<1x1x10240xf32, #tpu.memory_space<hbm>>
      %dma_start3A_90 = tpu.memref_squeeze %dma_start3A_89 : memref<1x1x10240xf32, #tpu.memory_space<hbm>> -> memref<10240xf32, #tpu.memory_space<hbm>>
      tpu.enqueue_dma source(%arg28 : memref<10240xf32, #tpu.memory_space<vmem>>) target(%dma_start3A_90 : memref<10240xf32, #tpu.memory_space<hbm>>) target_semaphore(%run_scoped3A : memref<!tpu.dma_semaphore, #tpu.memory_space<semaphore_mem>>)
      %dma_wait3A_91 = arith.constant 0 : i32
      %dma_wait3A_92 = tpu.memref_slice %arg8[%arg0, %arg1, %dma_wait3A_91] : memref<2x16x10240xf32, #tpu.memory_space<hbm>> -> memref<1x1x10240xf32, #tpu.memory_space<hbm>>
      %dma_wait3A_93 = tpu.memref_squeeze %dma_wait3A_92 : memref<1x1x10240xf32, #tpu.memory_space<hbm>> -> memref<10240xf32, #tpu.memory_space<hbm>>
      %dma_wait3A_94 = arith.constant 0 : i32
      %dma_wait3A_95 = tpu.memref_slice %arg8[%arg0, %arg1, %dma_wait3A_94] : memref<2x16x10240xf32, #tpu.memory_space<hbm>> -> memref<1x1x10240xf32, #tpu.memory_space<hbm>>
      %dma_wait3A_96 = tpu.memref_squeeze %dma_wait3A_95 : memref<1x1x10240xf32, #tpu.memory_space<hbm>> -> memref<10240xf32, #tpu.memory_space<hbm>>
      tpu.wait_dma2 semaphore(%run_scoped3A : memref<!tpu.dma_semaphore, #tpu.memory_space<semaphore_mem>>) src(%arg28 : memref<10240xf32, #tpu.memory_space<vmem>>) dst(%dma_wait3A_96 : memref<10240xf32, #tpu.memory_space<hbm>>)
      tpu.yield
    }) : () -> ()
    return
  }
}

#map = affine_map<(d0, d1) -> (0, 0)>
#map1 = affine_map<(d0, d1) -> (0, 0, 0)>
module attributes {stable_mosaic.version = 14 : i64} {
  func.func @agg(%arg0: i32, %arg1: i32, %arg2: memref<10240x32xf32, #tpu.memory_space<hbm>>, %arg3: memref<32x80x128xi32, #tpu.memory_space<hbm>>, %arg4: memref<32x80x128xi32, #tpu.memory_space<hbm>>, %arg5: memref<10240x32xf32, #tpu.memory_space<hbm>>, %arg6: memref<2x10240x32xf32, #tpu.memory_space<hbm>>, %arg7: memref<80x128xi32, #tpu.memory_space<vmem>>, %arg8: memref<80x128xi32, #tpu.memory_space<vmem>>, %arg9: memref<128x32xf32, #tpu.memory_space<vmem>>, %arg10: memref<128x32xf32, #tpu.memory_space<vmem>>, %arg11: memref<128x32xf32, #tpu.memory_space<vmem>>, %arg12: memref<128x32xf32, #tpu.memory_space<vmem>>, %arg13: memref<128x32xf32, #tpu.memory_space<vmem>>, %arg14: memref<10240x32xf32, #tpu.memory_space<vmem_shared>>, %arg15: memref<!tpu.dma_semaphore, #tpu.memory_space<semaphore_mem>>, %arg16: memref<!tpu.dma_semaphore, #tpu.memory_space<semaphore_mem>>, %arg17: memref<!tpu.dma_semaphore, #tpu.memory_space<semaphore_mem>>, %arg18: memref<!tpu.dma_semaphore, #tpu.memory_space<semaphore_mem>>, %arg19: memref<!tpu.dma_semaphore, #tpu.memory_space<semaphore_mem>>, %arg20: memref<!tpu.dma_semaphore, #tpu.memory_space<semaphore_mem>>, %arg21: memref<!tpu.dma_semaphore, #tpu.memory_space<semaphore_mem>>, %arg22: memref<!tpu.dma_semaphore, #tpu.memory_space<semaphore_mem>>, %arg23: memref<!tpu.dma_semaphore, #tpu.memory_space<semaphore_mem>>, %arg24: memref<!tpu.dma_semaphore, #tpu.memory_space<semaphore_mem>>, %arg25: memref<!tpu.dma_semaphore, #tpu.memory_space<semaphore_mem>>) attributes {dimension_semantics = [#tpu.dimension_semantics<core_parallel>, #tpu.dimension_semantics<subcore_parallel>], iteration_bounds = array<i64: 2, 16>, scalar_prefetch = 0 : i64, scratch_operands = 19 : i64, tpu.core_type = #tpu.core_type<sc_vector_subcore>, window_params = [{transform_indices = #map}, {transform_indices = #map1}, {transform_indices = #map1}, {transform_indices = #map}, {transform_indices = #map1}]} {
    %mul3A = arith.constant 16 : i32
    %mul3A_0 = arith.muli %arg0, %mul3A : i32
    %add3A = arith.addi %mul3A_0, %arg1 : i32
    "tpu.region"() ({
      %run_scoped3A = tpu.sem_alloc : memref<!tpu.dma_semaphore, #tpu.memory_space<semaphore_mem>>
      %dma_start3A_84 = arith.constant 0 : i32
      %dma_start3A_85 = arith.constant 0 : i32
      %dma_start3A_86 = tpu.memref_slice %arg3[%add3A, %dma_start3A_84, %dma_start3A_85] : memref<32x80x128xi32, #tpu.memory_space<hbm>> -> memref<1x80x128xi32, #tpu.memory_space<hbm>>
      %dma_start3A_87 = tpu.memref_squeeze %dma_start3A_86 : memref<1x80x128xi32, #tpu.memory_space<hbm>> -> memref<80x128xi32, #tpu.memory_space<hbm>>
      %dma_start3A_88 = arith.constant 0 : i32
      %dma_start3A_89 = arith.constant 0 : i32
      %dma_start3A_90 = tpu.memref_slice %arg3[%add3A, %dma_start3A_88, %dma_start3A_89] : memref<32x80x128xi32, #tpu.memory_space<hbm>> -> memref<1x80x128xi32, #tpu.memory_space<hbm>>
      %dma_start3A_91 = tpu.memref_squeeze %dma_start3A_90 : memref<1x80x128xi32, #tpu.memory_space<hbm>> -> memref<80x128xi32, #tpu.memory_space<hbm>>
      tpu.enqueue_dma source(%dma_start3A_91 : memref<80x128xi32, #tpu.memory_space<hbm>>) target(%arg7 : memref<80x128xi32, #tpu.memory_space<vmem>>) target_semaphore(%run_scoped3A : memref<!tpu.dma_semaphore, #tpu.memory_space<semaphore_mem>>)
      %dma_wait3A_92 = arith.constant 0 : i32
      %dma_wait3A_93 = arith.constant 0 : i32
      %dma_wait3A_94 = tpu.memref_slice %arg3[%add3A, %dma_wait3A_92, %dma_wait3A_93] : memref<32x80x128xi32, #tpu.memory_space<hbm>> -> memref<1x80x128xi32, #tpu.memory_space<hbm>>
      %dma_wait3A_95 = tpu.memref_squeeze %dma_wait3A_94 : memref<1x80x128xi32, #tpu.memory_space<hbm>> -> memref<80x128xi32, #tpu.memory_space<hbm>>
      %dma_wait3A_96 = arith.constant 0 : i32
      %dma_wait3A_97 = arith.constant 0 : i32
      %dma_wait3A_98 = tpu.memref_slice %arg3[%add3A, %dma_wait3A_96, %dma_wait3A_97] : memref<32x80x128xi32, #tpu.memory_space<hbm>> -> memref<1x80x128xi32, #tpu.memory_space<hbm>>
      %dma_wait3A_99 = tpu.memref_squeeze %dma_wait3A_98 : memref<1x80x128xi32, #tpu.memory_space<hbm>> -> memref<80x128xi32, #tpu.memory_space<hbm>>
      tpu.wait_dma2 semaphore(%run_scoped3A : memref<!tpu.dma_semaphore, #tpu.memory_space<semaphore_mem>>) src(%dma_wait3A_99 : memref<80x128xi32, #tpu.memory_space<hbm>>) dst(%arg7 : memref<80x128xi32, #tpu.memory_space<vmem>>)
      tpu.yield
    }) : () -> ()
    "tpu.region"() ({
      %run_scoped3A = tpu.sem_alloc : memref<!tpu.dma_semaphore, #tpu.memory_space<semaphore_mem>>
      %dma_start3A_84 = arith.constant 0 : i32
      %dma_start3A_85 = arith.constant 0 : i32
      %dma_start3A_86 = tpu.memref_slice %arg4[%add3A, %dma_start3A_84, %dma_start3A_85] : memref<32x80x128xi32, #tpu.memory_space<hbm>> -> memref<1x80x128xi32, #tpu.memory_space<hbm>>
      %dma_start3A_87 = tpu.memref_squeeze %dma_start3A_86 : memref<1x80x128xi32, #tpu.memory_space<hbm>> -> memref<80x128xi32, #tpu.memory_space<hbm>>
      %dma_start3A_88 = arith.constant 0 : i32
      %dma_start3A_89 = arith.constant 0 : i32
      %dma_start3A_90 = tpu.memref_slice %arg4[%add3A, %dma_start3A_88, %dma_start3A_89] : memref<32x80x128xi32, #tpu.memory_space<hbm>> -> memref<1x80x128xi32, #tpu.memory_space<hbm>>
      %dma_start3A_91 = tpu.memref_squeeze %dma_start3A_90 : memref<1x80x128xi32, #tpu.memory_space<hbm>> -> memref<80x128xi32, #tpu.memory_space<hbm>>
      tpu.enqueue_dma source(%dma_start3A_91 : memref<80x128xi32, #tpu.memory_space<hbm>>) target(%arg8 : memref<80x128xi32, #tpu.memory_space<vmem>>) target_semaphore(%run_scoped3A : memref<!tpu.dma_semaphore, #tpu.memory_space<semaphore_mem>>)
      %dma_wait3A_92 = arith.constant 0 : i32
      %dma_wait3A_93 = arith.constant 0 : i32
      %dma_wait3A_94 = tpu.memref_slice %arg4[%add3A, %dma_wait3A_92, %dma_wait3A_93] : memref<32x80x128xi32, #tpu.memory_space<hbm>> -> memref<1x80x128xi32, #tpu.memory_space<hbm>>
      %dma_wait3A_95 = tpu.memref_squeeze %dma_wait3A_94 : memref<1x80x128xi32, #tpu.memory_space<hbm>> -> memref<80x128xi32, #tpu.memory_space<hbm>>
      %dma_wait3A_96 = arith.constant 0 : i32
      %dma_wait3A_97 = arith.constant 0 : i32
      %dma_wait3A_98 = tpu.memref_slice %arg4[%add3A, %dma_wait3A_96, %dma_wait3A_97] : memref<32x80x128xi32, #tpu.memory_space<hbm>> -> memref<1x80x128xi32, #tpu.memory_space<hbm>>
      %dma_wait3A_99 = tpu.memref_squeeze %dma_wait3A_98 : memref<1x80x128xi32, #tpu.memory_space<hbm>> -> memref<80x128xi32, #tpu.memory_space<hbm>>
      tpu.wait_dma2 semaphore(%run_scoped3A : memref<!tpu.dma_semaphore, #tpu.memory_space<semaphore_mem>>) src(%dma_wait3A_99 : memref<80x128xi32, #tpu.memory_space<hbm>>) dst(%arg8 : memref<80x128xi32, #tpu.memory_space<vmem>>)
      tpu.yield
    }) : () -> ()
    %mul3A_1 = arith.constant 640 : i32
    %mul3A_2 = arith.muli %arg1, %mul3A_1 : i32
    %dma_start3A = arith.constant 0 : i32
    %dma_start3A_3 = tpu.memref_slice %arg14[%mul3A_2, %dma_start3A] : memref<10240x32xf32, #tpu.memory_space<vmem_shared>> -> memref<640x32xf32, #tpu.memory_space<vmem_shared>>
    %dma_start3A_4 = arith.constant 0 : i32
    %dma_start3A_5 = tpu.memref_slice %arg5[%mul3A_2, %dma_start3A_4] : memref<10240x32xf32, #tpu.memory_space<hbm>> -> memref<640x32xf32, #tpu.memory_space<hbm>>
    tpu.enqueue_dma source(%dma_start3A_5 : memref<640x32xf32, #tpu.memory_space<hbm>>) target(%dma_start3A_3 : memref<640x32xf32, #tpu.memory_space<vmem_shared>>) target_semaphore(%arg25 : memref<!tpu.dma_semaphore, #tpu.memory_space<semaphore_mem>>)
    %dma_wait3A = arith.constant 0 : i32
    %dma_wait3A_6 = tpu.memref_slice %arg14[%mul3A_2, %dma_wait3A] : memref<10240x32xf32, #tpu.memory_space<vmem_shared>> -> memref<640x32xf32, #tpu.memory_space<vmem_shared>>
    %dma_wait3A_7 = arith.constant 0 : i32
    %dma_wait3A_8 = tpu.memref_slice %arg5[%mul3A_2, %dma_wait3A_7] : memref<10240x32xf32, #tpu.memory_space<hbm>> -> memref<640x32xf32, #tpu.memory_space<hbm>>
    tpu.wait_dma2 semaphore(%arg25 : memref<!tpu.dma_semaphore, #tpu.memory_space<semaphore_mem>>) src(%dma_wait3A_8 : memref<640x32xf32, #tpu.memory_space<hbm>>) dst(%dma_wait3A_6 : memref<640x32xf32, #tpu.memory_space<vmem_shared>>)
    %barrier3A = arith.constant 0 : index
    tpu.barrier barrier_id(%barrier3A)
    %dma_start3A_9 = arith.constant 0 : i32
    %dma_start3A_10 = arith.constant 0 : i32
    %dma_start3A_11 = tpu.memref_slice %arg7[%dma_start3A_9, %dma_start3A_10] : memref<80x128xi32, #tpu.memory_space<vmem>> -> memref<1x128xi32, #tpu.memory_space<vmem>>
    %dma_start3A_12 = tpu.memref_squeeze %dma_start3A_11 : memref<1x128xi32, #tpu.memory_space<vmem>> -> memref<128xi32, #tpu.memory_space<vmem>>
    %dma_start3A_13 = arith.constant 0 : i32
    %dma_start3A_14 = arith.constant 0 : i32
    %dma_start3A_15 = tpu.memref_slice %arg2[%dma_start3A_13, %dma_start3A_14] : memref<10240x32xf32, #tpu.memory_space<hbm>> -> memref<10240x32xf32, #tpu.memory_space<hbm>>
    tpu.enqueue_indirect_dma source(%dma_start3A_15 : memref<10240x32xf32, #tpu.memory_space<hbm>>) target(%arg9 : memref<128x32xf32, #tpu.memory_space<vmem>>) offsets(%dma_start3A_12 : memref<128xi32, #tpu.memory_space<vmem>>) semaphore(%arg15 : memref<!tpu.dma_semaphore, #tpu.memory_space<semaphore_mem>>)
    %dma_start3A_16 = arith.constant 1 : i32
    %dma_start3A_17 = arith.constant 0 : i32
    %dma_start3A_18 = tpu.memref_slice %arg7[%dma_start3A_16, %dma_start3A_17] : memref<80x128xi32, #tpu.memory_space<vmem>> -> memref<1x128xi32, #tpu.memory_space<vmem>>
    %dma_start3A_19 = tpu.memref_squeeze %dma_start3A_18 : memref<1x128xi32, #tpu.memory_space<vmem>> -> memref<128xi32, #tpu.memory_space<vmem>>
    %dma_start3A_20 = arith.constant 0 : i32
    %dma_start3A_21 = arith.constant 0 : i32
    %dma_start3A_22 = tpu.memref_slice %arg2[%dma_start3A_20, %dma_start3A_21] : memref<10240x32xf32, #tpu.memory_space<hbm>> -> memref<10240x32xf32, #tpu.memory_space<hbm>>
    tpu.enqueue_indirect_dma source(%dma_start3A_22 : memref<10240x32xf32, #tpu.memory_space<hbm>>) target(%arg10 : memref<128x32xf32, #tpu.memory_space<vmem>>) offsets(%dma_start3A_19 : memref<128xi32, #tpu.memory_space<vmem>>) semaphore(%arg16 : memref<!tpu.dma_semaphore, #tpu.memory_space<semaphore_mem>>)
    %dma_start3A_23 = arith.constant 2 : i32
    %dma_start3A_24 = arith.constant 0 : i32
    %dma_start3A_25 = tpu.memref_slice %arg7[%dma_start3A_23, %dma_start3A_24] : memref<80x128xi32, #tpu.memory_space<vmem>> -> memref<1x128xi32, #tpu.memory_space<vmem>>
    %dma_start3A_26 = tpu.memref_squeeze %dma_start3A_25 : memref<1x128xi32, #tpu.memory_space<vmem>> -> memref<128xi32, #tpu.memory_space<vmem>>
    %dma_start3A_27 = arith.constant 0 : i32
    %dma_start3A_28 = arith.constant 0 : i32
    %dma_start3A_29 = tpu.memref_slice %arg2[%dma_start3A_27, %dma_start3A_28] : memref<10240x32xf32, #tpu.memory_space<hbm>> -> memref<10240x32xf32, #tpu.memory_space<hbm>>
    tpu.enqueue_indirect_dma source(%dma_start3A_29 : memref<10240x32xf32, #tpu.memory_space<hbm>>) target(%arg11 : memref<128x32xf32, #tpu.memory_space<vmem>>) offsets(%dma_start3A_26 : memref<128xi32, #tpu.memory_space<vmem>>) semaphore(%arg17 : memref<!tpu.dma_semaphore, #tpu.memory_space<semaphore_mem>>)
    %dma_start3A_30 = arith.constant 3 : i32
    %dma_start3A_31 = arith.constant 0 : i32
    %dma_start3A_32 = tpu.memref_slice %arg7[%dma_start3A_30, %dma_start3A_31] : memref<80x128xi32, #tpu.memory_space<vmem>> -> memref<1x128xi32, #tpu.memory_space<vmem>>
    %dma_start3A_33 = tpu.memref_squeeze %dma_start3A_32 : memref<1x128xi32, #tpu.memory_space<vmem>> -> memref<128xi32, #tpu.memory_space<vmem>>
    %dma_start3A_34 = arith.constant 0 : i32
    %dma_start3A_35 = arith.constant 0 : i32
    %dma_start3A_36 = tpu.memref_slice %arg2[%dma_start3A_34, %dma_start3A_35] : memref<10240x32xf32, #tpu.memory_space<hbm>> -> memref<10240x32xf32, #tpu.memory_space<hbm>>
    tpu.enqueue_indirect_dma source(%dma_start3A_36 : memref<10240x32xf32, #tpu.memory_space<hbm>>) target(%arg12 : memref<128x32xf32, #tpu.memory_space<vmem>>) offsets(%dma_start3A_33 : memref<128xi32, #tpu.memory_space<vmem>>) semaphore(%arg18 : memref<!tpu.dma_semaphore, #tpu.memory_space<semaphore_mem>>)
    %dma_start3A_37 = arith.constant 4 : i32
    %dma_start3A_38 = arith.constant 0 : i32
    %dma_start3A_39 = tpu.memref_slice %arg7[%dma_start3A_37, %dma_start3A_38] : memref<80x128xi32, #tpu.memory_space<vmem>> -> memref<1x128xi32, #tpu.memory_space<vmem>>
    %dma_start3A_40 = tpu.memref_squeeze %dma_start3A_39 : memref<1x128xi32, #tpu.memory_space<vmem>> -> memref<128xi32, #tpu.memory_space<vmem>>
    %dma_start3A_41 = arith.constant 0 : i32
    %dma_start3A_42 = arith.constant 0 : i32
    %dma_start3A_43 = tpu.memref_slice %arg2[%dma_start3A_41, %dma_start3A_42] : memref<10240x32xf32, #tpu.memory_space<hbm>> -> memref<10240x32xf32, #tpu.memory_space<hbm>>
    tpu.enqueue_indirect_dma source(%dma_start3A_43 : memref<10240x32xf32, #tpu.memory_space<hbm>>) target(%arg13 : memref<128x32xf32, #tpu.memory_space<vmem>>) offsets(%dma_start3A_40 : memref<128xi32, #tpu.memory_space<vmem>>) semaphore(%arg19 : memref<!tpu.dma_semaphore, #tpu.memory_space<semaphore_mem>>)
    %scan3A = arith.constant 0 : i32
    %scan3A_44 = arith.constant 16 : i32
    %scan3A_45 = arith.addi %scan3A, %scan3A_44 : i32
    %scan3A_46 = arith.constant 1 : i32
    scf.for %scan3A_84 = %scan3A to %scan3A_45 step %scan3A_46  : i32 {
      %mul3A_85 = arith.constant 1 : i32
      %mul3A_86 = arith.muli %scan3A_84, %mul3A_85 : i32
      %add3A_87 = arith.constant 0 : i32
      %add3A_88 = arith.addi %add3A_87, %mul3A_86 : i32
      %mul3A_89 = arith.constant 5 : i32
      %mul3A_90 = arith.muli %add3A_88, %mul3A_89 : i32
      %add3A_91 = arith.constant 0 : i32
      %add3A_92 = arith.addi %mul3A_90, %add3A_91 : i32
      %dma_wait3A_93 = arith.constant 0 : i32
      %dma_wait3A_94 = tpu.memref_slice %arg7[%add3A_92, %dma_wait3A_93] : memref<80x128xi32, #tpu.memory_space<vmem>> -> memref<1x128xi32, #tpu.memory_space<vmem>>
      %dma_wait3A_95 = tpu.memref_squeeze %dma_wait3A_94 : memref<1x128xi32, #tpu.memory_space<vmem>> -> memref<128xi32, #tpu.memory_space<vmem>>
      %dma_wait3A_96 = arith.constant 0 : i32
      %dma_wait3A_97 = arith.constant 0 : i32
      %dma_wait3A_98 = tpu.memref_slice %arg2[%dma_wait3A_96, %dma_wait3A_97] : memref<10240x32xf32, #tpu.memory_space<hbm>> -> memref<10240x32xf32, #tpu.memory_space<hbm>>
      tpu.wait_indirect_dma semaphore(%arg15 : memref<!tpu.dma_semaphore, #tpu.memory_space<semaphore_mem>>) src(%dma_wait3A_98 : memref<10240x32xf32, #tpu.memory_space<hbm>>) dst(%arg9 : memref<128x32xf32, #tpu.memory_space<vmem>>)
      %dma_start3A_99 = arith.constant 0 : i32
      %dma_start3A_100 = tpu.memref_slice %arg8[%add3A_92, %dma_start3A_99] : memref<80x128xi32, #tpu.memory_space<vmem>> -> memref<1x128xi32, #tpu.memory_space<vmem>>
      %dma_start3A_101 = tpu.memref_squeeze %dma_start3A_100 : memref<1x128xi32, #tpu.memory_space<vmem>> -> memref<128xi32, #tpu.memory_space<vmem>>
      %dma_start3A_102 = arith.constant 0 : i32
      %dma_start3A_103 = arith.constant 0 : i32
      %dma_start3A_104 = tpu.memref_slice %arg14[%dma_start3A_102, %dma_start3A_103] : memref<10240x32xf32, #tpu.memory_space<vmem_shared>> -> memref<10240x32xf32, #tpu.memory_space<vmem_shared>>
      tpu.enqueue_indirect_dma source(%arg9 : memref<128x32xf32, #tpu.memory_space<vmem>>) target(%dma_start3A_104 : memref<10240x32xf32, #tpu.memory_space<vmem_shared>>) offsets(%dma_start3A_101 : memref<128xi32, #tpu.memory_space<vmem>>) semaphore(%arg20 : memref<!tpu.dma_semaphore, #tpu.memory_space<semaphore_mem>>) {add = true}
      %lt3A = arith.constant 15 : i32
      %lt3A_105 = arith.cmpi slt, %add3A_88, %lt3A : i32
      %convert_element_type3A = arith.extui %lt3A_105 : i1 to i32
      %cond3A = arith.constant 0 : i32
      %cond3A_106 = arith.cmpi ne, %convert_element_type3A, %cond3A : i32
      scf.if %cond3A_106 {
        %dma_wait3A_191 = arith.constant 0 : i32
        %dma_wait3A_192 = tpu.memref_slice %arg7[%add3A_92, %dma_wait3A_191] : memref<80x128xi32, #tpu.memory_space<vmem>> -> memref<1x128xi32, #tpu.memory_space<vmem>>
        %dma_wait3A_193 = tpu.memref_squeeze %dma_wait3A_192 : memref<1x128xi32, #tpu.memory_space<vmem>> -> memref<128xi32, #tpu.memory_space<vmem>>
        %dma_wait3A_194 = arith.constant 0 : i32
        %dma_wait3A_195 = arith.constant 0 : i32
        %dma_wait3A_196 = tpu.memref_slice %arg2[%dma_wait3A_194, %dma_wait3A_195] : memref<10240x32xf32, #tpu.memory_space<hbm>> -> memref<10240x32xf32, #tpu.memory_space<hbm>>
        tpu.wait_indirect_dma semaphore(%arg20 : memref<!tpu.dma_semaphore, #tpu.memory_space<semaphore_mem>>) src(%dma_wait3A_196 : memref<10240x32xf32, #tpu.memory_space<hbm>>) dst(%arg9 : memref<128x32xf32, #tpu.memory_space<vmem>>)
        %add3A_197 = arith.constant 5 : i32
        %add3A_198 = arith.addi %add3A_92, %add3A_197 : i32
        %dma_start3A_199 = arith.constant 0 : i32
        %dma_start3A_200 = tpu.memref_slice %arg7[%add3A_198, %dma_start3A_199] : memref<80x128xi32, #tpu.memory_space<vmem>> -> memref<1x128xi32, #tpu.memory_space<vmem>>
        %dma_start3A_201 = tpu.memref_squeeze %dma_start3A_200 : memref<1x128xi32, #tpu.memory_space<vmem>> -> memref<128xi32, #tpu.memory_space<vmem>>
        %dma_start3A_202 = arith.constant 0 : i32
        %dma_start3A_203 = arith.constant 0 : i32
        %dma_start3A_204 = tpu.memref_slice %arg2[%dma_start3A_202, %dma_start3A_203] : memref<10240x32xf32, #tpu.memory_space<hbm>> -> memref<10240x32xf32, #tpu.memory_space<hbm>>
        tpu.enqueue_indirect_dma source(%dma_start3A_204 : memref<10240x32xf32, #tpu.memory_space<hbm>>) target(%arg9 : memref<128x32xf32, #tpu.memory_space<vmem>>) offsets(%dma_start3A_201 : memref<128xi32, #tpu.memory_space<vmem>>) semaphore(%arg15 : memref<!tpu.dma_semaphore, #tpu.memory_space<semaphore_mem>>)
      } else {
      }
      %mul3A_107 = arith.constant 5 : i32
      %mul3A_108 = arith.muli %add3A_88, %mul3A_107 : i32
      %add3A_109 = arith.constant 1 : i32
      %add3A_110 = arith.addi %mul3A_108, %add3A_109 : i32
      %dma_wait3A_111 = arith.constant 0 : i32
      %dma_wait3A_112 = tpu.memref_slice %arg7[%add3A_110, %dma_wait3A_111] : memref<80x128xi32, #tpu.memory_space<vmem>> -> memref<1x128xi32, #tpu.memory_space<vmem>>
      %dma_wait3A_113 = tpu.memref_squeeze %dma_wait3A_112 : memref<1x128xi32, #tpu.memory_space<vmem>> -> memref<128xi32, #tpu.memory_space<vmem>>
      %dma_wait3A_114 = arith.constant 0 : i32
      %dma_wait3A_115 = arith.constant 0 : i32
      %dma_wait3A_116 = tpu.memref_slice %arg2[%dma_wait3A_114, %dma_wait3A_115] : memref<10240x32xf32, #tpu.memory_space<hbm>> -> memref<10240x32xf32, #tpu.memory_space<hbm>>
      tpu.wait_indirect_dma semaphore(%arg16 : memref<!tpu.dma_semaphore, #tpu.memory_space<semaphore_mem>>) src(%dma_wait3A_116 : memref<10240x32xf32, #tpu.memory_space<hbm>>) dst(%arg10 : memref<128x32xf32, #tpu.memory_space<vmem>>)
      %dma_start3A_117 = arith.constant 0 : i32
      %dma_start3A_118 = tpu.memref_slice %arg8[%add3A_110, %dma_start3A_117] : memref<80x128xi32, #tpu.memory_space<vmem>> -> memref<1x128xi32, #tpu.memory_space<vmem>>
      %dma_start3A_119 = tpu.memref_squeeze %dma_start3A_118 : memref<1x128xi32, #tpu.memory_space<vmem>> -> memref<128xi32, #tpu.memory_space<vmem>>
      %dma_start3A_120 = arith.constant 0 : i32
      %dma_start3A_121 = arith.constant 0 : i32
      %dma_start3A_122 = tpu.memref_slice %arg14[%dma_start3A_120, %dma_start3A_121] : memref<10240x32xf32, #tpu.memory_space<vmem_shared>> -> memref<10240x32xf32, #tpu.memory_space<vmem_shared>>
      tpu.enqueue_indirect_dma source(%arg10 : memref<128x32xf32, #tpu.memory_space<vmem>>) target(%dma_start3A_122 : memref<10240x32xf32, #tpu.memory_space<vmem_shared>>) offsets(%dma_start3A_119 : memref<128xi32, #tpu.memory_space<vmem>>) semaphore(%arg21 : memref<!tpu.dma_semaphore, #tpu.memory_space<semaphore_mem>>) {add = true}
      %lt3A_123 = arith.constant 15 : i32
      %lt3A_124 = arith.cmpi slt, %add3A_88, %lt3A_123 : i32
      %convert_element_type3A_125 = arith.extui %lt3A_124 : i1 to i32
      %cond3A_126 = arith.constant 0 : i32
      %cond3A_127 = arith.cmpi ne, %convert_element_type3A_125, %cond3A_126 : i32
      scf.if %cond3A_127 {
        %dma_wait3A_191 = arith.constant 0 : i32
        %dma_wait3A_192 = tpu.memref_slice %arg7[%add3A_110, %dma_wait3A_191] : memref<80x128xi32, #tpu.memory_space<vmem>> -> memref<1x128xi32, #tpu.memory_space<vmem>>
        %dma_wait3A_193 = tpu.memref_squeeze %dma_wait3A_192 : memref<1x128xi32, #tpu.memory_space<vmem>> -> memref<128xi32, #tpu.memory_space<vmem>>
        %dma_wait3A_194 = arith.constant 0 : i32
        %dma_wait3A_195 = arith.constant 0 : i32
        %dma_wait3A_196 = tpu.memref_slice %arg2[%dma_wait3A_194, %dma_wait3A_195] : memref<10240x32xf32, #tpu.memory_space<hbm>> -> memref<10240x32xf32, #tpu.memory_space<hbm>>
        tpu.wait_indirect_dma semaphore(%arg21 : memref<!tpu.dma_semaphore, #tpu.memory_space<semaphore_mem>>) src(%dma_wait3A_196 : memref<10240x32xf32, #tpu.memory_space<hbm>>) dst(%arg10 : memref<128x32xf32, #tpu.memory_space<vmem>>)
        %add3A_197 = arith.constant 5 : i32
        %add3A_198 = arith.addi %add3A_110, %add3A_197 : i32
        %dma_start3A_199 = arith.constant 0 : i32
        %dma_start3A_200 = tpu.memref_slice %arg7[%add3A_198, %dma_start3A_199] : memref<80x128xi32, #tpu.memory_space<vmem>> -> memref<1x128xi32, #tpu.memory_space<vmem>>
        %dma_start3A_201 = tpu.memref_squeeze %dma_start3A_200 : memref<1x128xi32, #tpu.memory_space<vmem>> -> memref<128xi32, #tpu.memory_space<vmem>>
        %dma_start3A_202 = arith.constant 0 : i32
        %dma_start3A_203 = arith.constant 0 : i32
        %dma_start3A_204 = tpu.memref_slice %arg2[%dma_start3A_202, %dma_start3A_203] : memref<10240x32xf32, #tpu.memory_space<hbm>> -> memref<10240x32xf32, #tpu.memory_space<hbm>>
        tpu.enqueue_indirect_dma source(%dma_start3A_204 : memref<10240x32xf32, #tpu.memory_space<hbm>>) target(%arg10 : memref<128x32xf32, #tpu.memory_space<vmem>>) offsets(%dma_start3A_201 : memref<128xi32, #tpu.memory_space<vmem>>) semaphore(%arg16 : memref<!tpu.dma_semaphore, #tpu.memory_space<semaphore_mem>>)
      } else {
      }
      %mul3A_128 = arith.constant 5 : i32
      %mul3A_129 = arith.muli %add3A_88, %mul3A_128 : i32
      %add3A_130 = arith.constant 2 : i32
      %add3A_131 = arith.addi %mul3A_129, %add3A_130 : i32
      %dma_wait3A_132 = arith.constant 0 : i32
      %dma_wait3A_133 = tpu.memref_slice %arg7[%add3A_131, %dma_wait3A_132] : memref<80x128xi32, #tpu.memory_space<vmem>> -> memref<1x128xi32, #tpu.memory_space<vmem>>
      %dma_wait3A_134 = tpu.memref_squeeze %dma_wait3A_133 : memref<1x128xi32, #tpu.memory_space<vmem>> -> memref<128xi32, #tpu.memory_space<vmem>>
      %dma_wait3A_135 = arith.constant 0 : i32
      %dma_wait3A_136 = arith.constant 0 : i32
      %dma_wait3A_137 = tpu.memref_slice %arg2[%dma_wait3A_135, %dma_wait3A_136] : memref<10240x32xf32, #tpu.memory_space<hbm>> -> memref<10240x32xf32, #tpu.memory_space<hbm>>
      tpu.wait_indirect_dma semaphore(%arg17 : memref<!tpu.dma_semaphore, #tpu.memory_space<semaphore_mem>>) src(%dma_wait3A_137 : memref<10240x32xf32, #tpu.memory_space<hbm>>) dst(%arg11 : memref<128x32xf32, #tpu.memory_space<vmem>>)
      %dma_start3A_138 = arith.constant 0 : i32
      %dma_start3A_139 = tpu.memref_slice %arg8[%add3A_131, %dma_start3A_138] : memref<80x128xi32, #tpu.memory_space<vmem>> -> memref<1x128xi32, #tpu.memory_space<vmem>>
      %dma_start3A_140 = tpu.memref_squeeze %dma_start3A_139 : memref<1x128xi32, #tpu.memory_space<vmem>> -> memref<128xi32, #tpu.memory_space<vmem>>
      %dma_start3A_141 = arith.constant 0 : i32
      %dma_start3A_142 = arith.constant 0 : i32
      %dma_start3A_143 = tpu.memref_slice %arg14[%dma_start3A_141, %dma_start3A_142] : memref<10240x32xf32, #tpu.memory_space<vmem_shared>> -> memref<10240x32xf32, #tpu.memory_space<vmem_shared>>
      tpu.enqueue_indirect_dma source(%arg11 : memref<128x32xf32, #tpu.memory_space<vmem>>) target(%dma_start3A_143 : memref<10240x32xf32, #tpu.memory_space<vmem_shared>>) offsets(%dma_start3A_140 : memref<128xi32, #tpu.memory_space<vmem>>) semaphore(%arg22 : memref<!tpu.dma_semaphore, #tpu.memory_space<semaphore_mem>>) {add = true}
      %lt3A_144 = arith.constant 15 : i32
      %lt3A_145 = arith.cmpi slt, %add3A_88, %lt3A_144 : i32
      %convert_element_type3A_146 = arith.extui %lt3A_145 : i1 to i32
      %cond3A_147 = arith.constant 0 : i32
      %cond3A_148 = arith.cmpi ne, %convert_element_type3A_146, %cond3A_147 : i32
      scf.if %cond3A_148 {
        %dma_wait3A_191 = arith.constant 0 : i32
        %dma_wait3A_192 = tpu.memref_slice %arg7[%add3A_131, %dma_wait3A_191] : memref<80x128xi32, #tpu.memory_space<vmem>> -> memref<1x128xi32, #tpu.memory_space<vmem>>
        %dma_wait3A_193 = tpu.memref_squeeze %dma_wait3A_192 : memref<1x128xi32, #tpu.memory_space<vmem>> -> memref<128xi32, #tpu.memory_space<vmem>>
        %dma_wait3A_194 = arith.constant 0 : i32
        %dma_wait3A_195 = arith.constant 0 : i32
        %dma_wait3A_196 = tpu.memref_slice %arg2[%dma_wait3A_194, %dma_wait3A_195] : memref<10240x32xf32, #tpu.memory_space<hbm>> -> memref<10240x32xf32, #tpu.memory_space<hbm>>
        tpu.wait_indirect_dma semaphore(%arg22 : memref<!tpu.dma_semaphore, #tpu.memory_space<semaphore_mem>>) src(%dma_wait3A_196 : memref<10240x32xf32, #tpu.memory_space<hbm>>) dst(%arg11 : memref<128x32xf32, #tpu.memory_space<vmem>>)
        %add3A_197 = arith.constant 5 : i32
        %add3A_198 = arith.addi %add3A_131, %add3A_197 : i32
        %dma_start3A_199 = arith.constant 0 : i32
        %dma_start3A_200 = tpu.memref_slice %arg7[%add3A_198, %dma_start3A_199] : memref<80x128xi32, #tpu.memory_space<vmem>> -> memref<1x128xi32, #tpu.memory_space<vmem>>
        %dma_start3A_201 = tpu.memref_squeeze %dma_start3A_200 : memref<1x128xi32, #tpu.memory_space<vmem>> -> memref<128xi32, #tpu.memory_space<vmem>>
        %dma_start3A_202 = arith.constant 0 : i32
        %dma_start3A_203 = arith.constant 0 : i32
        %dma_start3A_204 = tpu.memref_slice %arg2[%dma_start3A_202, %dma_start3A_203] : memref<10240x32xf32, #tpu.memory_space<hbm>> -> memref<10240x32xf32, #tpu.memory_space<hbm>>
        tpu.enqueue_indirect_dma source(%dma_start3A_204 : memref<10240x32xf32, #tpu.memory_space<hbm>>) target(%arg11 : memref<128x32xf32, #tpu.memory_space<vmem>>) offsets(%dma_start3A_201 : memref<128xi32, #tpu.memory_space<vmem>>) semaphore(%arg17 : memref<!tpu.dma_semaphore, #tpu.memory_space<semaphore_mem>>)
      } else {
      }
      %mul3A_149 = arith.constant 5 : i32
      %mul3A_150 = arith.muli %add3A_88, %mul3A_149 : i32
      %add3A_151 = arith.constant 3 : i32
      %add3A_152 = arith.addi %mul3A_150, %add3A_151 : i32
      %dma_wait3A_153 = arith.constant 0 : i32
      %dma_wait3A_154 = tpu.memref_slice %arg7[%add3A_152, %dma_wait3A_153] : memref<80x128xi32, #tpu.memory_space<vmem>> -> memref<1x128xi32, #tpu.memory_space<vmem>>
      %dma_wait3A_155 = tpu.memref_squeeze %dma_wait3A_154 : memref<1x128xi32, #tpu.memory_space<vmem>> -> memref<128xi32, #tpu.memory_space<vmem>>
      %dma_wait3A_156 = arith.constant 0 : i32
      %dma_wait3A_157 = arith.constant 0 : i32
      %dma_wait3A_158 = tpu.memref_slice %arg2[%dma_wait3A_156, %dma_wait3A_157] : memref<10240x32xf32, #tpu.memory_space<hbm>> -> memref<10240x32xf32, #tpu.memory_space<hbm>>
      tpu.wait_indirect_dma semaphore(%arg18 : memref<!tpu.dma_semaphore, #tpu.memory_space<semaphore_mem>>) src(%dma_wait3A_158 : memref<10240x32xf32, #tpu.memory_space<hbm>>) dst(%arg12 : memref<128x32xf32, #tpu.memory_space<vmem>>)
      %dma_start3A_159 = arith.constant 0 : i32
      %dma_start3A_160 = tpu.memref_slice %arg8[%add3A_152, %dma_start3A_159] : memref<80x128xi32, #tpu.memory_space<vmem>> -> memref<1x128xi32, #tpu.memory_space<vmem>>
      %dma_start3A_161 = tpu.memref_squeeze %dma_start3A_160 : memref<1x128xi32, #tpu.memory_space<vmem>> -> memref<128xi32, #tpu.memory_space<vmem>>
      %dma_start3A_162 = arith.constant 0 : i32
      %dma_start3A_163 = arith.constant 0 : i32
      %dma_start3A_164 = tpu.memref_slice %arg14[%dma_start3A_162, %dma_start3A_163] : memref<10240x32xf32, #tpu.memory_space<vmem_shared>> -> memref<10240x32xf32, #tpu.memory_space<vmem_shared>>
      tpu.enqueue_indirect_dma source(%arg12 : memref<128x32xf32, #tpu.memory_space<vmem>>) target(%dma_start3A_164 : memref<10240x32xf32, #tpu.memory_space<vmem_shared>>) offsets(%dma_start3A_161 : memref<128xi32, #tpu.memory_space<vmem>>) semaphore(%arg23 : memref<!tpu.dma_semaphore, #tpu.memory_space<semaphore_mem>>) {add = true}
      %lt3A_165 = arith.constant 15 : i32
      %lt3A_166 = arith.cmpi slt, %add3A_88, %lt3A_165 : i32
      %convert_element_type3A_167 = arith.extui %lt3A_166 : i1 to i32
      %cond3A_168 = arith.constant 0 : i32
      %cond3A_169 = arith.cmpi ne, %convert_element_type3A_167, %cond3A_168 : i32
      scf.if %cond3A_169 {
        %dma_wait3A_191 = arith.constant 0 : i32
        %dma_wait3A_192 = tpu.memref_slice %arg7[%add3A_152, %dma_wait3A_191] : memref<80x128xi32, #tpu.memory_space<vmem>> -> memref<1x128xi32, #tpu.memory_space<vmem>>
        %dma_wait3A_193 = tpu.memref_squeeze %dma_wait3A_192 : memref<1x128xi32, #tpu.memory_space<vmem>> -> memref<128xi32, #tpu.memory_space<vmem>>
        %dma_wait3A_194 = arith.constant 0 : i32
        %dma_wait3A_195 = arith.constant 0 : i32
        %dma_wait3A_196 = tpu.memref_slice %arg2[%dma_wait3A_194, %dma_wait3A_195] : memref<10240x32xf32, #tpu.memory_space<hbm>> -> memref<10240x32xf32, #tpu.memory_space<hbm>>
        tpu.wait_indirect_dma semaphore(%arg23 : memref<!tpu.dma_semaphore, #tpu.memory_space<semaphore_mem>>) src(%dma_wait3A_196 : memref<10240x32xf32, #tpu.memory_space<hbm>>) dst(%arg12 : memref<128x32xf32, #tpu.memory_space<vmem>>)
        %add3A_197 = arith.constant 5 : i32
        %add3A_198 = arith.addi %add3A_152, %add3A_197 : i32
        %dma_start3A_199 = arith.constant 0 : i32
        %dma_start3A_200 = tpu.memref_slice %arg7[%add3A_198, %dma_start3A_199] : memref<80x128xi32, #tpu.memory_space<vmem>> -> memref<1x128xi32, #tpu.memory_space<vmem>>
        %dma_start3A_201 = tpu.memref_squeeze %dma_start3A_200 : memref<1x128xi32, #tpu.memory_space<vmem>> -> memref<128xi32, #tpu.memory_space<vmem>>
        %dma_start3A_202 = arith.constant 0 : i32
        %dma_start3A_203 = arith.constant 0 : i32
        %dma_start3A_204 = tpu.memref_slice %arg2[%dma_start3A_202, %dma_start3A_203] : memref<10240x32xf32, #tpu.memory_space<hbm>> -> memref<10240x32xf32, #tpu.memory_space<hbm>>
        tpu.enqueue_indirect_dma source(%dma_start3A_204 : memref<10240x32xf32, #tpu.memory_space<hbm>>) target(%arg12 : memref<128x32xf32, #tpu.memory_space<vmem>>) offsets(%dma_start3A_201 : memref<128xi32, #tpu.memory_space<vmem>>) semaphore(%arg18 : memref<!tpu.dma_semaphore, #tpu.memory_space<semaphore_mem>>)
      } else {
      }
      %mul3A_170 = arith.constant 5 : i32
      %mul3A_171 = arith.muli %add3A_88, %mul3A_170 : i32
      %add3A_172 = arith.constant 4 : i32
      %add3A_173 = arith.addi %mul3A_171, %add3A_172 : i32
      %dma_wait3A_174 = arith.constant 0 : i32
      %dma_wait3A_175 = tpu.memref_slice %arg7[%add3A_173, %dma_wait3A_174] : memref<80x128xi32, #tpu.memory_space<vmem>> -> memref<1x128xi32, #tpu.memory_space<vmem>>
      %dma_wait3A_176 = tpu.memref_squeeze %dma_wait3A_175 : memref<1x128xi32, #tpu.memory_space<vmem>> -> memref<128xi32, #tpu.memory_space<vmem>>
      %dma_wait3A_177 = arith.constant 0 : i32
      %dma_wait3A_178 = arith.constant 0 : i32
      %dma_wait3A_179 = tpu.memref_slice %arg2[%dma_wait3A_177, %dma_wait3A_178] : memref<10240x32xf32, #tpu.memory_space<hbm>> -> memref<10240x32xf32, #tpu.memory_space<hbm>>
      tpu.wait_indirect_dma semaphore(%arg19 : memref<!tpu.dma_semaphore, #tpu.memory_space<semaphore_mem>>) src(%dma_wait3A_179 : memref<10240x32xf32, #tpu.memory_space<hbm>>) dst(%arg13 : memref<128x32xf32, #tpu.memory_space<vmem>>)
      %dma_start3A_180 = arith.constant 0 : i32
      %dma_start3A_181 = tpu.memref_slice %arg8[%add3A_173, %dma_start3A_180] : memref<80x128xi32, #tpu.memory_space<vmem>> -> memref<1x128xi32, #tpu.memory_space<vmem>>
      %dma_start3A_182 = tpu.memref_squeeze %dma_start3A_181 : memref<1x128xi32, #tpu.memory_space<vmem>> -> memref<128xi32, #tpu.memory_space<vmem>>
      %dma_start3A_183 = arith.constant 0 : i32
      %dma_start3A_184 = arith.constant 0 : i32
      %dma_start3A_185 = tpu.memref_slice %arg14[%dma_start3A_183, %dma_start3A_184] : memref<10240x32xf32, #tpu.memory_space<vmem_shared>> -> memref<10240x32xf32, #tpu.memory_space<vmem_shared>>
      tpu.enqueue_indirect_dma source(%arg13 : memref<128x32xf32, #tpu.memory_space<vmem>>) target(%dma_start3A_185 : memref<10240x32xf32, #tpu.memory_space<vmem_shared>>) offsets(%dma_start3A_182 : memref<128xi32, #tpu.memory_space<vmem>>) semaphore(%arg24 : memref<!tpu.dma_semaphore, #tpu.memory_space<semaphore_mem>>) {add = true}
      %lt3A_186 = arith.constant 15 : i32
      %lt3A_187 = arith.cmpi slt, %add3A_88, %lt3A_186 : i32
      %convert_element_type3A_188 = arith.extui %lt3A_187 : i1 to i32
      %cond3A_189 = arith.constant 0 : i32
      %cond3A_190 = arith.cmpi ne, %convert_element_type3A_188, %cond3A_189 : i32
      scf.if %cond3A_190 {
        %dma_wait3A_191 = arith.constant 0 : i32
        %dma_wait3A_192 = tpu.memref_slice %arg7[%add3A_173, %dma_wait3A_191] : memref<80x128xi32, #tpu.memory_space<vmem>> -> memref<1x128xi32, #tpu.memory_space<vmem>>
        %dma_wait3A_193 = tpu.memref_squeeze %dma_wait3A_192 : memref<1x128xi32, #tpu.memory_space<vmem>> -> memref<128xi32, #tpu.memory_space<vmem>>
        %dma_wait3A_194 = arith.constant 0 : i32
        %dma_wait3A_195 = arith.constant 0 : i32
        %dma_wait3A_196 = tpu.memref_slice %arg2[%dma_wait3A_194, %dma_wait3A_195] : memref<10240x32xf32, #tpu.memory_space<hbm>> -> memref<10240x32xf32, #tpu.memory_space<hbm>>
        tpu.wait_indirect_dma semaphore(%arg24 : memref<!tpu.dma_semaphore, #tpu.memory_space<semaphore_mem>>) src(%dma_wait3A_196 : memref<10240x32xf32, #tpu.memory_space<hbm>>) dst(%arg13 : memref<128x32xf32, #tpu.memory_space<vmem>>)
        %add3A_197 = arith.constant 5 : i32
        %add3A_198 = arith.addi %add3A_173, %add3A_197 : i32
        %dma_start3A_199 = arith.constant 0 : i32
        %dma_start3A_200 = tpu.memref_slice %arg7[%add3A_198, %dma_start3A_199] : memref<80x128xi32, #tpu.memory_space<vmem>> -> memref<1x128xi32, #tpu.memory_space<vmem>>
        %dma_start3A_201 = tpu.memref_squeeze %dma_start3A_200 : memref<1x128xi32, #tpu.memory_space<vmem>> -> memref<128xi32, #tpu.memory_space<vmem>>
        %dma_start3A_202 = arith.constant 0 : i32
        %dma_start3A_203 = arith.constant 0 : i32
        %dma_start3A_204 = tpu.memref_slice %arg2[%dma_start3A_202, %dma_start3A_203] : memref<10240x32xf32, #tpu.memory_space<hbm>> -> memref<10240x32xf32, #tpu.memory_space<hbm>>
        tpu.enqueue_indirect_dma source(%dma_start3A_204 : memref<10240x32xf32, #tpu.memory_space<hbm>>) target(%arg13 : memref<128x32xf32, #tpu.memory_space<vmem>>) offsets(%dma_start3A_201 : memref<128xi32, #tpu.memory_space<vmem>>) semaphore(%arg19 : memref<!tpu.dma_semaphore, #tpu.memory_space<semaphore_mem>>)
      } else {
      }
    }
    %scan3A_47 = arith.constant 16 : i32
    %dma_wait3A_48 = arith.constant 0 : i32
    %dma_wait3A_49 = arith.constant 0 : i32
    %dma_wait3A_50 = tpu.memref_slice %arg7[%dma_wait3A_48, %dma_wait3A_49] : memref<80x128xi32, #tpu.memory_space<vmem>> -> memref<1x128xi32, #tpu.memory_space<vmem>>
    %dma_wait3A_51 = tpu.memref_squeeze %dma_wait3A_50 : memref<1x128xi32, #tpu.memory_space<vmem>> -> memref<128xi32, #tpu.memory_space<vmem>>
    %dma_wait3A_52 = arith.constant 0 : i32
    %dma_wait3A_53 = arith.constant 0 : i32
    %dma_wait3A_54 = tpu.memref_slice %arg2[%dma_wait3A_52, %dma_wait3A_53] : memref<10240x32xf32, #tpu.memory_space<hbm>> -> memref<10240x32xf32, #tpu.memory_space<hbm>>
    tpu.wait_indirect_dma semaphore(%arg20 : memref<!tpu.dma_semaphore, #tpu.memory_space<semaphore_mem>>) src(%dma_wait3A_54 : memref<10240x32xf32, #tpu.memory_space<hbm>>) dst(%arg9 : memref<128x32xf32, #tpu.memory_space<vmem>>)
    %dma_wait3A_55 = arith.constant 1 : i32
    %dma_wait3A_56 = arith.constant 0 : i32
    %dma_wait3A_57 = tpu.memref_slice %arg7[%dma_wait3A_55, %dma_wait3A_56] : memref<80x128xi32, #tpu.memory_space<vmem>> -> memref<1x128xi32, #tpu.memory_space<vmem>>
    %dma_wait3A_58 = tpu.memref_squeeze %dma_wait3A_57 : memref<1x128xi32, #tpu.memory_space<vmem>> -> memref<128xi32, #tpu.memory_space<vmem>>
    %dma_wait3A_59 = arith.constant 0 : i32
    %dma_wait3A_60 = arith.constant 0 : i32
    %dma_wait3A_61 = tpu.memref_slice %arg2[%dma_wait3A_59, %dma_wait3A_60] : memref<10240x32xf32, #tpu.memory_space<hbm>> -> memref<10240x32xf32, #tpu.memory_space<hbm>>
    tpu.wait_indirect_dma semaphore(%arg21 : memref<!tpu.dma_semaphore, #tpu.memory_space<semaphore_mem>>) src(%dma_wait3A_61 : memref<10240x32xf32, #tpu.memory_space<hbm>>) dst(%arg10 : memref<128x32xf32, #tpu.memory_space<vmem>>)
    %dma_wait3A_62 = arith.constant 2 : i32
    %dma_wait3A_63 = arith.constant 0 : i32
    %dma_wait3A_64 = tpu.memref_slice %arg7[%dma_wait3A_62, %dma_wait3A_63] : memref<80x128xi32, #tpu.memory_space<vmem>> -> memref<1x128xi32, #tpu.memory_space<vmem>>
    %dma_wait3A_65 = tpu.memref_squeeze %dma_wait3A_64 : memref<1x128xi32, #tpu.memory_space<vmem>> -> memref<128xi32, #tpu.memory_space<vmem>>
    %dma_wait3A_66 = arith.constant 0 : i32
    %dma_wait3A_67 = arith.constant 0 : i32
    %dma_wait3A_68 = tpu.memref_slice %arg2[%dma_wait3A_66, %dma_wait3A_67] : memref<10240x32xf32, #tpu.memory_space<hbm>> -> memref<10240x32xf32, #tpu.memory_space<hbm>>
    tpu.wait_indirect_dma semaphore(%arg22 : memref<!tpu.dma_semaphore, #tpu.memory_space<semaphore_mem>>) src(%dma_wait3A_68 : memref<10240x32xf32, #tpu.memory_space<hbm>>) dst(%arg11 : memref<128x32xf32, #tpu.memory_space<vmem>>)
    %dma_wait3A_69 = arith.constant 3 : i32
    %dma_wait3A_70 = arith.constant 0 : i32
    %dma_wait3A_71 = tpu.memref_slice %arg7[%dma_wait3A_69, %dma_wait3A_70] : memref<80x128xi32, #tpu.memory_space<vmem>> -> memref<1x128xi32, #tpu.memory_space<vmem>>
    %dma_wait3A_72 = tpu.memref_squeeze %dma_wait3A_71 : memref<1x128xi32, #tpu.memory_space<vmem>> -> memref<128xi32, #tpu.memory_space<vmem>>
    %dma_wait3A_73 = arith.constant 0 : i32
    %dma_wait3A_74 = arith.constant 0 : i32
    %dma_wait3A_75 = tpu.memref_slice %arg2[%dma_wait3A_73, %dma_wait3A_74] : memref<10240x32xf32, #tpu.memory_space<hbm>> -> memref<10240x32xf32, #tpu.memory_space<hbm>>
    tpu.wait_indirect_dma semaphore(%arg23 : memref<!tpu.dma_semaphore, #tpu.memory_space<semaphore_mem>>) src(%dma_wait3A_75 : memref<10240x32xf32, #tpu.memory_space<hbm>>) dst(%arg12 : memref<128x32xf32, #tpu.memory_space<vmem>>)
    %dma_wait3A_76 = arith.constant 4 : i32
    %dma_wait3A_77 = arith.constant 0 : i32
    %dma_wait3A_78 = tpu.memref_slice %arg7[%dma_wait3A_76, %dma_wait3A_77] : memref<80x128xi32, #tpu.memory_space<vmem>> -> memref<1x128xi32, #tpu.memory_space<vmem>>
    %dma_wait3A_79 = tpu.memref_squeeze %dma_wait3A_78 : memref<1x128xi32, #tpu.memory_space<vmem>> -> memref<128xi32, #tpu.memory_space<vmem>>
    %dma_wait3A_80 = arith.constant 0 : i32
    %dma_wait3A_81 = arith.constant 0 : i32
    %dma_wait3A_82 = tpu.memref_slice %arg2[%dma_wait3A_80, %dma_wait3A_81] : memref<10240x32xf32, #tpu.memory_space<hbm>> -> memref<10240x32xf32, #tpu.memory_space<hbm>>
    tpu.wait_indirect_dma semaphore(%arg24 : memref<!tpu.dma_semaphore, #tpu.memory_space<semaphore_mem>>) src(%dma_wait3A_82 : memref<10240x32xf32, #tpu.memory_space<hbm>>) dst(%arg13 : memref<128x32xf32, #tpu.memory_space<vmem>>)
    %barrier3A_83 = arith.constant 0 : index
    tpu.barrier barrier_id(%barrier3A_83)
    "tpu.region"() ({
      %run_scoped3A = tpu.sem_alloc : memref<!tpu.dma_semaphore, #tpu.memory_space<semaphore_mem>>
      %dma_start3A_84 = arith.constant 0 : i32
      %dma_start3A_85 = tpu.memref_slice %arg6[%arg0, %mul3A_2, %dma_start3A_84] : memref<2x10240x32xf32, #tpu.memory_space<hbm>> -> memref<1x640x32xf32, #tpu.memory_space<hbm>>
      %dma_start3A_86 = tpu.memref_squeeze %dma_start3A_85 : memref<1x640x32xf32, #tpu.memory_space<hbm>> -> memref<640x32xf32, #tpu.memory_space<hbm>>
      %dma_start3A_87 = arith.constant 0 : i32
      %dma_start3A_88 = tpu.memref_slice %arg14[%mul3A_2, %dma_start3A_87] : memref<10240x32xf32, #tpu.memory_space<vmem_shared>> -> memref<640x32xf32, #tpu.memory_space<vmem_shared>>
      tpu.enqueue_dma source(%dma_start3A_88 : memref<640x32xf32, #tpu.memory_space<vmem_shared>>) target(%dma_start3A_86 : memref<640x32xf32, #tpu.memory_space<hbm>>) target_semaphore(%run_scoped3A : memref<!tpu.dma_semaphore, #tpu.memory_space<semaphore_mem>>)
      %dma_wait3A_89 = arith.constant 0 : i32
      %dma_wait3A_90 = tpu.memref_slice %arg6[%arg0, %mul3A_2, %dma_wait3A_89] : memref<2x10240x32xf32, #tpu.memory_space<hbm>> -> memref<1x640x32xf32, #tpu.memory_space<hbm>>
      %dma_wait3A_91 = tpu.memref_squeeze %dma_wait3A_90 : memref<1x640x32xf32, #tpu.memory_space<hbm>> -> memref<640x32xf32, #tpu.memory_space<hbm>>
      %dma_wait3A_92 = arith.constant 0 : i32
      %dma_wait3A_93 = tpu.memref_slice %arg14[%mul3A_2, %dma_wait3A_92] : memref<10240x32xf32, #tpu.memory_space<vmem_shared>> -> memref<640x32xf32, #tpu.memory_space<vmem_shared>>
      tpu.wait_dma2 semaphore(%run_scoped3A : memref<!tpu.dma_semaphore, #tpu.memory_space<semaphore_mem>>) src(%dma_wait3A_93 : memref<640x32xf32, #tpu.memory_space<vmem_shared>>) dst(%dma_wait3A_91 : memref<640x32xf32, #tpu.memory_space<hbm>>)
      tpu.yield
    }) : () -> ()
    return
  }
}

module attributes {stable_mosaic.version = 14 : i64} {
  func.func @_tc1_body(%arg0: i32, %arg1: memref<1024x256xf32, #tpu.memory_space<vmem>>, %arg2: memref<256x128xf32, #tpu.memory_space<vmem>>, %arg3: memref<256x128xf32, #tpu.memory_space<vmem>>, %arg4: memref<1024x128xf32, #tpu.memory_space<vmem>>, %arg5: memref<1024x128xf32, #tpu.memory_space<vmem>>) attributes {dimension_semantics = [#tpu.dimension_semantics<arbitrary>], iteration_bounds = array<i64: 5>, scalar_prefetch = 0 : i64, scratch_operands = 0 : i64, tpu.core_type = #tpu.core_type<tc>, window_params = [{transform_indices = @transform_0, window_bounds = array<i64: 1024, 256>}, {pipeline_mode = #tpu.pipeline_mode<synchronous>, transform_indices = @transform_1, window_bounds = array<i64: 256, 128>}, {pipeline_mode = #tpu.pipeline_mode<synchronous>, transform_indices = @transform_2, window_bounds = array<i64: 256, 128>}, {transform_indices = @transform_3, window_bounds = array<i64: 1024, 128>}, {transform_indices = @transform_4, window_bounds = array<i64: 1024, 128>}]} {
    %get3A = arith.constant 0 : index
    %get3A_0 = arith.constant 0 : index
    %get3A_1 = vector.load %arg1[%get3A, %get3A_0] : memref<1024x256xf32, #tpu.memory_space<vmem>>, vector<1024x256xf32>
    %get3A_2 = arith.constant 0 : index
    %get3A_3 = arith.constant 0 : index
    %get3A_4 = vector.load %arg2[%get3A_2, %get3A_3] : memref<256x128xf32, #tpu.memory_space<vmem>>, vector<256x128xf32>
    %dot_general3A = arith.constant dense<0.000000e+00> : vector<1024x128xf32>
    %dot_general3A_5 = tpu.matmul %get3A_1, %get3A_4, %dot_general3A {dimension_numbers = #tpu.dot_dimension_numbers<[1], [0], [0], [1], [0, 0, 1, 1], [], []>, transpose_lhs_hint = false} : vector<1024x256xf32>, vector<256x128xf32>, vector<1024x128xf32> -> vector<1024x128xf32>
    %swap3A = arith.constant 0 : index
    %swap3A_6 = arith.constant 0 : index
    %swap3A_7 = vector.load %arg4[%swap3A, %swap3A_6] : memref<1024x128xf32, #tpu.memory_space<vmem>>, vector<1024x128xf32>
    tpu.vector_store %arg4[%swap3A, %swap3A_6], %dot_general3A_5 {strides = array<i32>} : memref<1024x128xf32, #tpu.memory_space<vmem>>, vector<1024x128xf32>,
    %get3A_8 = arith.constant 0 : index
    %get3A_9 = arith.constant 0 : index
    %get3A_10 = vector.load %arg3[%get3A_8, %get3A_9] : memref<256x128xf32, #tpu.memory_space<vmem>>, vector<256x128xf32>
    %dot_general3A_11 = arith.constant dense<0.000000e+00> : vector<1024x128xf32>
    %dot_general3A_12 = tpu.matmul %get3A_1, %get3A_10, %dot_general3A_11 {dimension_numbers = #tpu.dot_dimension_numbers<[1], [0], [0], [1], [0, 0, 1, 1], [], []>, transpose_lhs_hint = false} : vector<1024x256xf32>, vector<256x128xf32>, vector<1024x128xf32> -> vector<1024x128xf32>
    %swap3A_13 = arith.constant 0 : index
    %swap3A_14 = arith.constant 0 : index
    %swap3A_15 = vector.load %arg5[%swap3A_13, %swap3A_14] : memref<1024x128xf32, #tpu.memory_space<vmem>>, vector<1024x128xf32>
    tpu.vector_store %arg5[%swap3A_13, %swap3A_14], %dot_general3A_12 {strides = array<i32>} : memref<1024x128xf32, #tpu.memory_space<vmem>>, vector<1024x128xf32>,
    return
  }
  func.func @transform_0(%arg0: i32) -> (i32, i32) {
    %c0_i32 = arith.constant 0 : i32
    %c0_i32_0 = arith.constant 0 : i32
    return %arg0, %c0_i32 : i32, i32
  }
  func.func @transform_1(%arg0: i32) -> (i32, i32) {
    %c0_i32 = arith.constant 0 : i32
    %c0_i32_0 = arith.constant 0 : i32
    %c0_i32_1 = arith.constant 0 : i32
    return %c0_i32, %c0_i32_0 : i32, i32
  }
  func.func @transform_2(%arg0: i32) -> (i32, i32) {
    %c0_i32 = arith.constant 0 : i32
    %c0_i32_0 = arith.constant 0 : i32
    %c0_i32_1 = arith.constant 0 : i32
    return %c0_i32, %c0_i32_0 : i32, i32
  }
  func.func @transform_3(%arg0: i32) -> (i32, i32) {
    %c0_i32 = arith.constant 0 : i32
    %c0_i32_0 = arith.constant 0 : i32
    return %arg0, %c0_i32 : i32, i32
  }
  func.func @transform_4(%arg0: i32) -> (i32, i32) {
    %c0_i32 = arith.constant 0 : i32
    %c0_i32_0 = arith.constant 0 : i32
    return %arg0, %c0_i32 : i32, i32
  }
}

module attributes {stable_mosaic.version = 14 : i64} {
  func.func @_tc2_body(%arg0: i32, %arg1: memref<2x1024x128xf32, #tpu.memory_space<vmem>>, %arg2: memref<1024x128xf32, #tpu.memory_space<vmem>>, %arg3: memref<1024x128xf32, #tpu.memory_space<vmem>>, %arg4: memref<128xf32, #tpu.memory_space<vmem>>, %arg5: memref<128x64xf32, #tpu.memory_space<vmem>>, %arg6: memref<128x64xf32, #tpu.memory_space<vmem>>, %arg7: memref<1024x64xf32, #tpu.memory_space<vmem>>, %arg8: memref<1024x64xf32, #tpu.memory_space<vmem>>) attributes {dimension_semantics = [#tpu.dimension_semantics<arbitrary>], iteration_bounds = array<i64: 5>, scalar_prefetch = 0 : i64, scratch_operands = 0 : i64, tpu.core_type = #tpu.core_type<tc>, window_params = [{transform_indices = @transform_0, window_bounds = array<i64: 2, 1024, 128>}, {transform_indices = @transform_1, window_bounds = array<i64: 1024, 128>}, {transform_indices = @transform_2, window_bounds = array<i64: 1024, 128>}, {pipeline_mode = #tpu.pipeline_mode<synchronous>, transform_indices = @transform_3, window_bounds = array<i64: 128>}, {pipeline_mode = #tpu.pipeline_mode<synchronous>, transform_indices = @transform_4, window_bounds = array<i64: 128, 64>}, {pipeline_mode = #tpu.pipeline_mode<synchronous>, transform_indices = @transform_5, window_bounds = array<i64: 128, 64>}, {transform_indices = @transform_6, window_bounds = array<i64: 1024, 64>}, {transform_indices = @transform_7, window_bounds = array<i64: 1024, 64>}]} {
    %get3A = arith.constant 0 : index
    %get3A_0 = arith.constant 0 : index
    %get3A_1 = arith.constant 0 : index
    %get3A_2 = vector.load %arg1[%get3A, %get3A_0, %get3A_1] : memref<2x1024x128xf32, #tpu.memory_space<vmem>>, vector<1x1024x128xf32>
    %get3A_3 = vector.shape_cast %get3A_2 : vector<1x1024x128xf32> to vector<1024x128xf32>
    %get3A_4 = arith.constant 1 : index
    %get3A_5 = arith.constant 0 : index
    %get3A_6 = arith.constant 0 : index
    %get3A_7 = vector.load %arg1[%get3A_4, %get3A_5, %get3A_6] : memref<2x1024x128xf32, #tpu.memory_space<vmem>>, vector<1x1024x128xf32>
    %get3A_8 = vector.shape_cast %get3A_7 : vector<1x1024x128xf32> to vector<1024x128xf32>
    %add3A = arith.addf %get3A_3, %get3A_8 : vector<1024x128xf32>
    %get3A_9 = arith.constant 0 : index
    %get3A_10 = arith.constant 0 : index
    %get3A_11 = vector.load %arg2[%get3A_9, %get3A_10] : memref<1024x128xf32, #tpu.memory_space<vmem>>, vector<1024x128xf32>
    %div3A = arith.divf %add3A, %get3A_11 : vector<1024x128xf32>
    %get3A_12 = arith.constant 0 : index
    %get3A_13 = vector.load %arg4[%get3A_12] : memref<128xf32, #tpu.memory_space<vmem>>, vector<128xf32>
    %broadcast_in_dim3A = vector.shape_cast %get3A_13 : vector<128xf32> to vector<1x128xf32>
    %add3A_14 = vector.broadcast %broadcast_in_dim3A : vector<1x128xf32> to vector<1024x128xf32>
    %add3A_15 = arith.addf %div3A, %add3A_14 : vector<1024x128xf32>
    %get3A_16 = arith.constant 0 : index
    %get3A_17 = arith.constant 0 : index
    %get3A_18 = vector.load %arg3[%get3A_16, %get3A_17] : memref<1024x128xf32, #tpu.memory_space<vmem>>, vector<1024x128xf32>
    %add3A_19 = arith.addf %add3A_15, %get3A_18 : vector<1024x128xf32>
    %max3A = arith.constant 0.000000e+00 : f32
    %max3A_20 = vector.broadcast %max3A : f32 to vector<1024x128xf32>
    %max3A_21 = arith.maximumf %add3A_19, %max3A_20 : vector<1024x128xf32>
    %get3A_22 = arith.constant 0 : index
    %get3A_23 = arith.constant 0 : index
    %get3A_24 = vector.load %arg5[%get3A_22, %get3A_23] : memref<128x64xf32, #tpu.memory_space<vmem>>, vector<128x64xf32>
    %dot_general3A = arith.constant dense<0.000000e+00> : vector<1024x64xf32>
    %dot_general3A_25 = tpu.matmul %max3A_21, %get3A_24, %dot_general3A {dimension_numbers = #tpu.dot_dimension_numbers<[1], [0], [0], [1], [0, 0, 1, 1], [], []>, transpose_lhs_hint = false} : vector<1024x128xf32>, vector<128x64xf32>, vector<1024x64xf32> -> vector<1024x64xf32>
    %swap3A = arith.constant 0 : index
    %swap3A_26 = arith.constant 0 : index
    %swap3A_27 = vector.load %arg7[%swap3A, %swap3A_26] : memref<1024x64xf32, #tpu.memory_space<vmem>>, vector<1024x64xf32>
    tpu.vector_store %arg7[%swap3A, %swap3A_26], %dot_general3A_25 {strides = array<i32>} : memref<1024x64xf32, #tpu.memory_space<vmem>>, vector<1024x64xf32>,
    %get3A_28 = arith.constant 0 : index
    %get3A_29 = arith.constant 0 : index
    %get3A_30 = vector.load %arg6[%get3A_28, %get3A_29] : memref<128x64xf32, #tpu.memory_space<vmem>>, vector<128x64xf32>
    %dot_general3A_31 = arith.constant dense<0.000000e+00> : vector<1024x64xf32>
    %dot_general3A_32 = tpu.matmul %max3A_21, %get3A_30, %dot_general3A_31 {dimension_numbers = #tpu.dot_dimension_numbers<[1], [0], [0], [1], [0, 0, 1, 1], [], []>, transpose_lhs_hint = false} : vector<1024x128xf32>, vector<128x64xf32>, vector<1024x64xf32> -> vector<1024x64xf32>
    %swap3A_33 = arith.constant 0 : index
    %swap3A_34 = arith.constant 0 : index
    %swap3A_35 = vector.load %arg8[%swap3A_33, %swap3A_34] : memref<1024x64xf32, #tpu.memory_space<vmem>>, vector<1024x64xf32>
    tpu.vector_store %arg8[%swap3A_33, %swap3A_34], %dot_general3A_32 {strides = array<i32>} : memref<1024x64xf32, #tpu.memory_space<vmem>>, vector<1024x64xf32>,
    return
  }
  func.func @transform_0(%arg0: i32) -> (i32, i32, i32) {
    %c0_i32 = arith.constant 0 : i32
    %c0_i32_0 = arith.constant 0 : i32
    %c0_i32_1 = arith.constant 0 : i32
    return %c0_i32, %arg0, %c0_i32_0 : i32, i32, i32
  }
  func.func @transform_1(%arg0: i32) -> (i32, i32) {
    %c0_i32 = arith.constant 0 : i32
    %c0_i32_0 = arith.constant 0 : i32
    return %arg0, %c0_i32 : i32, i32
  }
  func.func @transform_2(%arg0: i32) -> (i32, i32) {
    %c0_i32 = arith.constant 0 : i32
    %c0_i32_0 = arith.constant 0 : i32
    return %arg0, %c0_i32 : i32, i32
  }
  func.func @transform_3(%arg0: i32) -> i32 {
    %c0_i32 = arith.constant 0 : i32
    %c0_i32_0 = arith.constant 0 : i32
    return %c0_i32 : i32
  }
  func.func @transform_4(%arg0: i32) -> (i32, i32) {
    %c0_i32 = arith.constant 0 : i32
    %c0_i32_0 = arith.constant 0 : i32
    %c0_i32_1 = arith.constant 0 : i32
    return %c0_i32, %c0_i32_0 : i32, i32
  }
  func.func @transform_5(%arg0: i32) -> (i32, i32) {
    %c0_i32 = arith.constant 0 : i32
    %c0_i32_0 = arith.constant 0 : i32
    %c0_i32_1 = arith.constant 0 : i32
    return %c0_i32, %c0_i32_0 : i32, i32
  }
  func.func @transform_6(%arg0: i32) -> (i32, i32) {
    %c0_i32 = arith.constant 0 : i32
    %c0_i32_0 = arith.constant 0 : i32
    return %arg0, %c0_i32 : i32, i32
  }
  func.func @transform_7(%arg0: i32) -> (i32, i32) {
    %c0_i32 = arith.constant 0 : i32
    %c0_i32_0 = arith.constant 0 : i32
    return %arg0, %c0_i32 : i32, i32
  }
}

module attributes {stable_mosaic.version = 14 : i64} {
  func.func @_tc3_body(%arg0: i32, %arg1: memref<2x512x128xf32, #tpu.memory_space<vmem>>, %arg2: memref<512x128xf32, #tpu.memory_space<vmem>>, %arg3: memref<512x128xf32, #tpu.memory_space<vmem>>, %arg4: memref<128xf32, #tpu.memory_space<vmem>>, %arg5: memref<512x128xf32, #tpu.memory_space<vmem>>) attributes {dimension_semantics = [#tpu.dimension_semantics<arbitrary>], iteration_bounds = array<i64: 5>, scalar_prefetch = 0 : i64, scratch_operands = 0 : i64, tpu.core_type = #tpu.core_type<tc>, window_params = [{transform_indices = @transform_0, window_bounds = array<i64: 2, 512, 128>}, {transform_indices = @transform_1, window_bounds = array<i64: 512, 128>}, {transform_indices = @transform_2, window_bounds = array<i64: 512, 128>}, {pipeline_mode = #tpu.pipeline_mode<synchronous>, transform_indices = @transform_3, window_bounds = array<i64: 128>}, {transform_indices = @transform_4, window_bounds = array<i64: 512, 128>}]} {
    %get3A = arith.constant 0 : index
    %get3A_0 = arith.constant 0 : index
    %get3A_1 = arith.constant 0 : index
    %get3A_2 = vector.load %arg1[%get3A, %get3A_0, %get3A_1] : memref<2x512x128xf32, #tpu.memory_space<vmem>>, vector<1x512x128xf32>
    %get3A_3 = vector.shape_cast %get3A_2 : vector<1x512x128xf32> to vector<512x128xf32>
    %get3A_4 = arith.constant 1 : index
    %get3A_5 = arith.constant 0 : index
    %get3A_6 = arith.constant 0 : index
    %get3A_7 = vector.load %arg1[%get3A_4, %get3A_5, %get3A_6] : memref<2x512x128xf32, #tpu.memory_space<vmem>>, vector<1x512x128xf32>
    %get3A_8 = vector.shape_cast %get3A_7 : vector<1x512x128xf32> to vector<512x128xf32>
    %add3A = arith.addf %get3A_3, %get3A_8 : vector<512x128xf32>
    %get3A_9 = arith.constant 0 : index
    %get3A_10 = arith.constant 0 : index
    %get3A_11 = vector.load %arg2[%get3A_9, %get3A_10] : memref<512x128xf32, #tpu.memory_space<vmem>>, vector<512x128xf32>
    %div3A = arith.divf %add3A, %get3A_11 : vector<512x128xf32>
    %get3A_12 = arith.constant 0 : index
    %get3A_13 = vector.load %arg4[%get3A_12] : memref<128xf32, #tpu.memory_space<vmem>>, vector<128xf32>
    %broadcast_in_dim3A = vector.shape_cast %get3A_13 : vector<128xf32> to vector<1x128xf32>
    %add3A_14 = vector.broadcast %broadcast_in_dim3A : vector<1x128xf32> to vector<512x128xf32>
    %add3A_15 = arith.addf %div3A, %add3A_14 : vector<512x128xf32>
    %get3A_16 = arith.constant 0 : index
    %get3A_17 = arith.constant 0 : index
    %get3A_18 = vector.load %arg3[%get3A_16, %get3A_17] : memref<512x128xf32, #tpu.memory_space<vmem>>, vector<512x128xf32>
    %add3A_19 = arith.addf %add3A_15, %get3A_18 : vector<512x128xf32>
    %swap3A = arith.constant 0 : index
    %swap3A_20 = arith.constant 0 : index
    %swap3A_21 = vector.load %arg5[%swap3A, %swap3A_20] : memref<512x128xf32, #tpu.memory_space<vmem>>, vector<512x128xf32>
    tpu.vector_store %arg5[%swap3A, %swap3A_20], %add3A_19 {strides = array<i32>} : memref<512x128xf32, #tpu.memory_space<vmem>>, vector<512x128xf32>,
    return
  }
  func.func @transform_0(%arg0: i32) -> (i32, i32, i32) {
    %c0_i32 = arith.constant 0 : i32
    %c0_i32_0 = arith.constant 0 : i32
    %c0_i32_1 = arith.constant 0 : i32
    return %c0_i32, %arg0, %c0_i32_0 : i32, i32, i32
  }
  func.func @transform_1(%arg0: i32) -> (i32, i32) {
    %c0_i32 = arith.constant 0 : i32
    %c0_i32_0 = arith.constant 0 : i32
    return %arg0, %c0_i32 : i32, i32
  }
  func.func @transform_2(%arg0: i32) -> (i32, i32) {
    %c0_i32 = arith.constant 0 : i32
    %c0_i32_0 = arith.constant 0 : i32
    return %arg0, %c0_i32 : i32, i32
  }
  func.func @transform_3(%arg0: i32) -> i32 {
    %c0_i32 = arith.constant 0 : i32
    %c0_i32_0 = arith.constant 0 : i32
    return %c0_i32 : i32
  }
  func.func @transform_4(%arg0: i32) -> (i32, i32) {
    %c0_i32 = arith.constant 0 : i32
    %c0_i32_0 = arith.constant 0 : i32
    return %arg0, %c0_i32 : i32, i32
  }
}

</mosaic_0001>

<sc_bundles>
// kernel: kernel.10.cloned.1.call-start
scs
__scs_entry_jumppad:
0x0: {  	(pc) =	sbr.rel $0x88, $3  }
0x1: {  	(tag) =	ssettag $0x0;
	lr =	simm.s32 $0x1  }
0x2: {  	[smem:$0x3F99] =	sst lr;
	_ =	strace $0xD0000000  }
0x3: {  	_ = 	snop  }
0x4: {  	_ = 	snop  }
0x5: {  	_ = 	snop  }
0x6: {  	_ = 	snop  }
0x7: {  	_ = 	snop  }
__scs_overlays_trampoline_lowered:
0x8: {  	[smem:$0x3FA8] =	sst s0  }
0x9: {  	[smem:$0x3FA9] =	sst s1  }
0xa: {  	[smem:$0x3FAA] =	sst s2  }
0xb: {  	[smem:$0x3FAB] =	sst s3  }
0xc: {  	[smem:$0x3FAC] =	sst s4  }
0xd: {  	[smem:$0x3FAD] =	sst s5  }
0xe: {  	[smem:$0x3FAE] =	sst s6  }
0xf: {  	[smem:$0x3FAF] =	sst s7  }
0x10: {  	[smem:$0x3FB0] =	sst s8  }
0x11: {  	[smem:$0x3FB1] =	sst s9;
	s0 =	simm.s32 @!p0 $0x0  }
0x12: {  	s1 =	sld [smem:$0x3F97];
	s0 =	simm.s32 @p0 $0x1  }
0x13: {  	[smem:$0x3FB2] =	sst s0;
	s0 =	simm.s32 @!p1 $0x0  }
0x14: {  	s2 =	sld [smem:$0x3F96];
	s0 =	simm.s32 @p1 $0x1  }
0x15: {  	[smem:$0x3FB3] =	sst s0;
	s0 =	simm.s32 @!p2 $0x0  }
0x16: {  	s3 =	sld [smem:$0x3FDB];
	s0 =	simm.s32 @p2 $0x1  }
0x17: {  	s4 =	simm.s32 $0x1BF5;
	[smem:$0x3FB5] =	sst s0  }
0x18: {  	s0 =	sld [smem:$0x3F98];
	_ =	swait.ge [sflag:s4], $0x0  }
0x19: {  	s7 =	sld [smem:$0x3F99]  }
0x1a: {  	s8 =	sadd.s32 $0xFFFFE003, lr  }
0x1b: {  	s9 =	sadd.s32 $0xFFFFFEF7, lr;
	s5 =	simm.s32 $0xFFFFFFFF;
	p2 =	slt.u32 s8, $0xFFFFF086  }
0x1c: {  	p1 =	slt.u32 s9, $0xF7A;
	s5 =	simm.s32 @!p2 $0x0  }
0x1d: {  	s5 =	simm.s32 @p1 $0x1;
	p0 =	seq.s32 s7, s2  }
0x1e: {  	s7 =	smul.u32 @!p0 $0xF7A, s2;
	p2 =	seq.s32 @!p0 s5, $0x0  }
0x1f: {  	s9 =	smul.u32 $0xF7A, s1;
	s8 =	simm.s32 @!p0 $0x1BF5;
	p2 =	por !p2, p0  }
0x20: {  	[sflag:s8] =	ssyncset.s32 @!p0 $0xFFFFF086;
	s6 =	sadd.s32 @!p0 s3, s7;
	s7 =	simm.s32 @!p0 $0x108  }
0x21: {  	s3 =	sadd.s32 s3, s9;
	s6 =	sadd.s32 @!p0 $0x88, s6;
	s7 =	simm.s32 @p2 $0x1082  }
0x22: {  	[simem:s7], [sflag:s8] =	dma.local @!p0 [hbm:s6], $0xF7A  }
0x23: {  	s9 =	sor.u32 $0xD0000000, s2;
	s6 =	simm.s32 $0x108;
	_ =	swait.ge @!p0 [sflag:s8], $0x0  }
0x24: {  	s3 =	sadd.s32 $0x88, s3;
	s6 =	simm.s32 @!p1 $0x1082;
	[sflag:s4] =	ssyncset.s32 $0xFFFFF086  }
0x25: {  	[simem:s6], [sflag:s4] =	dma.local [hbm:s3], $0xF7A  }
0x26: {  	[smem:$0x3F99] =	sst s1;
	(tag) =	ssettag s2;
	_ =	strace s9  }
0x27: {  	s1 =	sld [smem:$0x3FA9]  }
0x28: {  	s2 =	sld [smem:$0x3FAA]  }
0x29: {  	s4 =	sld [smem:$0x3FAC]  }
0x2a: {  	p0 =	seq.s32 s5, $0x0;
	s5 =	sld [smem:$0x3FAD]  }
0x2b: {  	s6 =	sld [smem:$0x3FAE]  }
0x2c: {  	s7 =	sld [smem:$0x3FAF]  }
0x2d: {  	s3 =	simm.s32 $0x108;
	s8 =	sld [smem:$0x3FB0]  }
0x2e: {  	s3 =	simm.s32 @!p0 $0x1082;
	s9 =	sld [smem:$0x3FB1]  }
0x2f: {  	lr =	sadd.s32 s0, s3;
	s0 =	sld [smem:$0x3FA8]  }
0x30: {  	s3 =	sld [smem:$0x3FAB]  }
0x31: {  	[smem:$0x3FB4] =	sst s10  }
0x32: {  	s10 =	sld [smem:$0x3FB2];
	_ =	sdelay $0x3  }
0x33: {  	p0 =	seq.s32 s10, $0x1;
	s10 =	sld [smem:$0x3FB4];
	_ =	sdelay $0x3  }
0x34: {  	[smem:$0x3FB4] =	sst s10  }
0x35: {  	s10 =	sld [smem:$0x3FB3];
	_ =	sdelay $0x3  }
0x36: {  	p1 =	seq.s32 s10, $0x1;
	s10 =	sld [smem:$0x3FB4];
	_ =	sdelay $0x3  }
0x37: {  	[smem:$0x3FB4] =	sst s10  }
0x38: {  	s10 =	sld [smem:$0x3FB5]  }
0x39: {  	_ = 	snop;
	(pc) =	sbr.ind lr, $3  }
0x3a: {  	_ = 	snop  }
0x3b: {  	_ = 	snop  }
0x3c: {  	p2 =	seq.s32 s10, $0x1;
	s10 =	sld [smem:$0x3FB4]  }
0x3d: {  	_ =	shalt  }
0x3e: {  	_ =	shalt  }
0x3f: {  	_ =	shalt  }
0x40: {  	_ =	shalt  }
0x41: {  	_ =	shalt  }
0x42: {  	_ =	shalt  }
0x43: {  	_ =	shalt  }
0x44: {  	_ =	shalt  }
0x45: {  	_ =	shalt  }
0x46: {  	_ =	shalt  }
0x47: {  	_ =	shalt  }
0x48: {  	_ =	shalt  }
0x49: {  	_ =	shalt  }
0x4a: {  	_ =	shalt  }
0x4b: {  	_ =	shalt  }
0x4c: {  	_ =	shalt  }
0x4d: {  	_ =	shalt  }
0x4e: {  	_ =	shalt  }
0x4f: {  	_ =	shalt  }
0x50: {  	_ =	shalt  }
0x51: {  	_ =	shalt  }
0x52: {  	_ =	shalt  }
0x53: {  	_ =	shalt  }
0x54: {  	_ =	shalt  }
0x55: {  	_ =	shalt  }
0x56: {  	_ =	shalt  }
0x57: {  	_ =	shalt  }
0x58: {  	_ =	shalt  }
0x59: {  	_ =	shalt  }
0x5a: {  	_ =	shalt  }
0x5b: {  	_ =	shalt  }
0x5c: {  	_ =	shalt  }
0x5d: {  	_ =	shalt  }
0x5e: {  	_ =	shalt  }
0x5f: {  	_ =	shalt  }
0x60: {  	_ =	shalt  }
0x61: {  	_ =	shalt  }
0x62: {  	_ =	shalt  }
0x63: {  	_ =	shalt  }
0x64: {  	_ =	shalt  }
0x65: {  	_ =	shalt  }
0x66: {  	_ =	shalt  }
0x67: {  	_ =	shalt  }
0x68: {  	_ =	shalt  }
0x69: {  	_ =	shalt  }
0x6a: {  	_ =	shalt  }
0x6b: {  	_ =	shalt  }
0x6c: {  	_ =	shalt  }
0x6d: {  	_ =	shalt  }
0x6e: {  	_ =	shalt  }
0x6f: {  	_ =	shalt  }
0x70: {  	_ =	shalt  }
0x71: {  	_ =	shalt  }
0x72: {  	_ =	shalt  }
0x73: {  	_ =	shalt  }
0x74: {  	_ =	shalt  }
0x75: {  	_ =	shalt  }
0x76: {  	_ =	shalt  }
0x77: {  	_ =	shalt  }
0x78: {  	_ =	shalt  }
0x79: {  	_ =	shalt  }
0x7a: {  	_ =	shalt  }
0x7b: {  	_ =	shalt  }
0x7c: {  	_ =	shalt  }
0x7d: {  	_ =	shalt  }
0x7e: {  	_ =	shalt  }
0x7f: {  	_ =	shalt  }
0x80: {  	_ =	shalt  }
0x81: {  	_ =	shalt  }
0x82: {  	_ =	shalt  }
0x83: {  	_ =	shalt  }
0x84: {  	_ =	shalt  }
0x85: {  	_ =	shalt  }
0x86: {  	_ =	shalt  }
0x87: {  	_ =	shalt  }
.Lfunc_end0:
.L_simem_size_0:
called_computation.1_lowered:
.L_overlay_start_0:
0x88: {  	s2 =	sld [smem:$0x3FD9]  }
0x89: {  	s3 =	sld [smem:$0x3FFE];
	_ =	sdelay $0x1  }
0x8a: {  	s1 =	srdreg.scid  }
0x8b: {  	s0 =	sand.u32 $0x1, s1  }
0x8c: {  	s16 =	sshll.u32 s0, $0xA;
	s2 =	sadd.s32 s3, s2  }
0x8d: {  	s2 =	sadd.s32 s2, s16  }
0x8e: {  	[smem:$0x3FC0] =	sst s2  }
0x8f: {  	_ = 	snop  }
0x90: {  	(tm) =	ssettm $0x1  }
0x91: {  	s17 =	sld [smem:$0x3FFB];
	_ =	sdelay $0x3  }
0x92: {  	_ =	strace s17  }
0x93: {  	s2 =	sld [smem:$0x3FFC];
	_ =	sdelay $0x3  }
0x94: {  	_ =	strace s2  }
0x95: {  	s2 =	sld [smem:$0x3FFD];
	_ =	sdelay $0x3  }
0x96: {  	_ =	strace s2  }
0x97: {  	_ =	strace $0x8FFFFFFF  }
0x98: {  	s18 =	sld [smem:$0x3FDB];
	_ =	sdelay $0x1  }
0x99: {  	s19 =	simm.s32 $_scs_section_size  }
0x9a: {  	s4 =	simm.s32 $_size__tile_overlayer_lowered;
	s5 =	simm.s32 $_tile_overlayer_lowered  }
0x9b: {  	s22 =	simm.s32 $0x1BFF;
	s21 =	sshll.u32 s5, $0x1;
	s2 =	sadd.s32 s19, s18  }
0x9c: {  	s6 =	simm.s32 $0x0;
	s20 =	sshll.u32 s4, $0x1;
	s4 =	sadd.s32 s21, s2  }
0x9d: {  	[timem:s6], [sflag:s22] =	dma.local [hbm:s4], s20  }
0x9e: {  	_ =	swait.ge [sflag:s22], s20  }
0x9f: {  	s3 =	ssub.s32 $0x0, s20;
	[sflag:s22] =	ssyncset.done $0x0  }
0xa0: {  	[sflag:s22] =	ssyncadd.s32 s3;
	_ =	sdelay $0x1  }
0xa1: {  	s23 =	simm.s32 $0x1B8B  }
0xa2: {  	_ =	swait.ge [sflag:s23], $0x1  }
0xa3: {  	[sflag:s23] =	ssyncset.done $0x0  }
0xa4: {  	s25 =	simm.s32 $0x1B8E;
	s24 =	sld [smem:$0x3FFE];
	[sflag:s23] =	ssyncadd.s32 $0xFFFFFFFF  }
0xa5: {  	s26 =	simm.s32 $execute0_lowered;
	[smem:$0x3FD2] =	sst s25  }
0xa6: {  	s4 =	sshll.u32 s26, $0x1;
	_ =	strace $0x80000049;
	[dreg:$0x1] =	wrdreg $0xFFFFFFFF  }
0xa7: {  	s28 =	simm.s32 $_size_execute0_lowered;
	s2 =	sadd.s32 s2, s4;
	[dreg:$0x0] =	wrdreg $0x0  }
0xa8: {  	s4 =	sshll.u32 s28, $0x1;
	[dreg:$0x2] =	wrdreg s2  }
0xa9: {  	[dreg:$0x3] =	wrdreg s4  }
0xaa: {  	[dreg:$0x4] =	wrdreg $0xC0  }
0xab: {  	_ =	task [dreg:s6], $0x5FFFF  }
0xac: {  	[dreg:$0x1] =	wrdreg $0xFFFFFFFF  }
0xad: {  	[dreg:$0x0] =	wrdreg $0x60  }
0xae: {  	[dreg:$0x2] =	wrdreg s24  }
0xaf: {  	[dreg:$0x3] =	wrdreg $0xA0000  }
0xb0: {  	[dreg:$0x4] =	wrdreg $0x9  }
0xb1: {  	_ =	task.clear_ibuf [dreg:s6], $0x5FFFF;
	_ =	strace $0x90000049  }
0xb2: {  	s29 =	simm.s32 $0x9;
	_ =	strace $0x8000004B  }
0xb3: {  	_ =	swait.ge [sflag:s29], $0x1  }
0xb4: {  	[sflag:s29] =	ssyncadd.s32 $0xFFFFFFFF  }
0xb5: {  	_ =	strace $0x9000004B  }
0xb6: {  	_ =	sfence  }
0xb7: {  	s30 =	sld [smem:$0x0];
	_ =	sdelay $0x2  }
0xb8: {  	s31 =	sshll.u32 s1, $0xD;
	s1 =	sshrl.u32 s1, $0x2  }
0xb9: {  	s3 =	sand.u32 $0x4000, s31;
	s1 =	sadd.s32 s1, s30  }
0xba: {  	s0 =	sor.u32 s3, s0;
	s1 =	sshll.u32 s1, $0x11  }
0xbb: {  	s0 =	sor.u32 s1, s0  }
0xbc: {  	s0 =	sadd.s32 $0x8F2B, s0  }
0xbd: {  	[sflag:s0] =	ssyncadd.remote.s32 $0x1  }
0xbe: {  	_ =	sfence.sel $0xFFFF  }
0xbf: {  	[dreg:$0x0] =	wrdreg $0xFFFFFFFF;
	(pc) =	sbr.abs _section_cstart, $3  }
0xc0: {  	[dreg:$0x1] =	wrdreg $0xFFFFFFFF  }
0xc1: {  	_ =	task.clear_ibuf [dreg:s6], $0x2FFFF;
	_ =	strace $0x9FFFFFFF  }
0xc2: {  	(tm) =	ssettm $0x7FFFFFFF  }
0xc3: {  	_ =	shalt  }
tec
execute0_lowered:
.L_overlay_start_1:
0x0: {  	(tag) =	ssettag $0x1  }
0x1: {  	s0 =	srdreg.scid;
	s5 =	rddreg [dreg:$0x0]  }
0x2: {  	s10 =	stileid.u32;
	s2 =	rddreg [dreg:$0x1];
	s3 =	simm.s32 $0x0  }
0x3: {  	s11 =	simm.s32 $0xC;
	s15 =	simm.s32 $0xB;
	s16 =	simm.s32 $0x80  }
0x4: {  	s17 =	simm.s32 $0x5000;
	s18 =	simm.s32 $0x6000;
	s20 =	simm.s32 $0x7000  }
0x5: {  	s22 =	simm.s32 $0x8000;
	s24 =	simm.s32 $0x9000;
	s28 =	simm.s32 $0x2  }
0x6: {  	s29 =	simm.s32 $0x7;
	s30 =	simm.s32 $0x3;
	s31 =	simm.s32 $0x8  }
0x7: {  	s12 =	simm.s32 $0x5;
	s19 =	simm.s32 $0xA;
	s23 =	simm.s32 $0x0  }
0x8: {  	s0 =	sand.u32 $0x1, s0;
	s7 =	smul.u32 $0x5000, s10;
	[smem:$0x7FF] =	sst s3  }
0x9: {  	s4 =	sadd.s32 $0x1A00, s5;
	s1 =	sshll.u32 s0, $0x4;
	s6 =	smul.u32 $0x50000, s0  }
0xa: {  	_ =	strace $0x8000004A;
	s0 =	ssub.s32 $0x2, s0;
	s1 =	sor.u32 s10, s1  }
0xb: {  	s8 =	sshrl.u32 s7, $0x3;
	s9 =	sshrl.u32 s0, $0x1;
	s26 =	sadd.s32 s7, s2  }
0xc: {  	s10 =	sshll.u32 s10, $0x6;
	s1 =	smul.u32 $0x500, s1;
	s6 =	sadd.s32 s7, s6  }
0xd: {  	s8 =	sadd.s32 s8, s5;
	s0 =	ssub.s32 s0, s9;
	s13 =	sor.u32 $0x1C0B, s10  }
0xe: {  	s14 =	sshrl.u32 s26, $0x3;
	s26 =	simm.s32 $0x6;
	s6 =	sshrl.u32 s6, $0x3  }
0xf: {  	s7 =	sadd.s32 $0xBA00, s8;
	s9 =	smax.u32 s0, $0x1;
	s1 =	sadd.s32 s1, s5  }
0x10: {  	s0 =	simm.s32 $0x9;
	s5 =	sadd.s32 s6, s5;
	s25 =	sadd.s32 $0x15A00, s1  }
0x11: {  	s1 =	sadd.s32 $0x1FA00, s1;
	s8 =	sadd.s32 $0x29A00, s5;
	[dreg:$0x3] =	wrdreg s25  }
0x12: {  	[dreg:$0x4] =	wrdreg s1;
	s25 =	simm.s32 $0x1;
	s1 =	simm.s32 $0x4  }
.LBB2_1:
0x13: {  	s5 =	rddreg [dreg:$0x3]  }
0x14: {  	[tilespmem:s3], [sflag:$0xC] =	stream.linear.gather [hbm4b:s5+s3], $0x2800, $0x38;
	[tilespmem:$0xF000] =	vst v63  }
0x15: {  	_ =	swait.ge [sflag:s11], $0x2800  }
0x16: {  	[sflag:s11] =	ssyncset.done $0x0  }
0x17: {  	s6 =	simm.s32 $0x2800;
	s21 =	rddreg [dreg:$0x4];
	[sflag:s11] =	ssyncadd.s32 $0xFFFFD800  }
0x18: {  	[tilespmem:s6], [sflag:$0xC] =	stream.linear.gather [hbm4b:s21+s3], $0x2800, $0x38;
	[tilespmem:$0xF000] =	vst v63  }
0x19: {  	_ =	swait.ge [sflag:s11], $0x2800  }
0x1a: {  	[sflag:s11] =	ssyncset.done $0x0  }
0x1b: {  	[sflag:s11] =	ssyncadd.s32 $0xFFFFD800  }
0x1c: {  	[spmem:s14], [sflag:s13] =	dma.local [hbm:s7], $0xA00  }
0x1d: {  	_ =	swait.ge [sflag:s15], $0xA00  }
0x1e: {  	[sflag:s15] =	ssyncset.done $0x0  }
0x1f: {  	[sflag:s15] =	ssyncadd.s32 $0xFFFFF600  }
0x20: {  	[bflag:$0x0] =	sbarrier.arrive $0xFFFF  }
0x21: {  	[tilespmem:s17], [sflag:$0x1] =	stream.indirect.gather [hbm4b:s4+s16], $0x20, s3, s16, $0xb8;
	[tilespmem:$0xF000] =	vst v63  }
0x22: {  	_ = 	snop  }
0x23: {  	[tilespmem:s18], [sflag:$0x2] =	stream.indirect.gather [hbm4b:s4+s16], $0x20, s16, s16, $0xb8;
	[tilespmem:$0xF000] =	vst v63  }
0x24: {  	s6 =	simm.s32 $0x100  }
0x25: {  	[tilespmem:s20], [sflag:$0x3] =	stream.indirect.gather [hbm4b:s4+s16], $0x20, s6, s16, $0xb8;
	[tilespmem:$0xF000] =	vst v63  }
0x26: {  	s21 =	simm.s32 $0x180  }
0x27: {  	[tilespmem:s22], [sflag:$0x4] =	stream.indirect.gather [hbm4b:s4+s16], $0x20, s21, s16, $0xb8;
	[tilespmem:$0xF000] =	vst v63  }
0x28: {  	s6 =	simm.s32 $0x200  }
0x29: {  	[tilespmem:s24], [sflag:$0x5] =	stream.indirect.gather [hbm4b:s4+s16], $0x20, s6, s16, $0xb8;
	[tilespmem:$0xF000] =	vst v63  }
0x2a: {  	_ =	swait.ge [sflag:s25], $0x1000  }
0x2b: {  	[sflag:s25] =	ssyncset.done $0x0  }
0x2c: {  	s21 =	simm.s32 $0x2800;
	[sflag:s25] =	ssyncadd.s32 $0xFFFFF000  }
0x2d: {  	[spmem:s2] =	stream.indirect.scatter.add.f32 [tilespmem:s17], [sflag:$0x6], $0x20, s21, s16, $0xb8;
	[tilespmem:$0xF000] =	vst v63  }
0x2e: {  	_ =	swait.ge [sflag:s26], $0x1000  }
0x2f: {  	[sflag:s26] =	ssyncset.done $0x0  }
0x30: {  	s6 =	simm.s32 $0x280;
	[sflag:s26] =	ssyncadd.s32 $0xFFFFF000  }
0x31: {  	[tilespmem:s17], [sflag:$0x1] =	stream.indirect.gather [hbm4b:s4+s16], $0x20, s6, s16, $0xb8;
	[tilespmem:$0xF000] =	vst v63  }
0x32: {  	_ =	swait.ge [sflag:s28], $0x1000  }
0x33: {  	[sflag:s28] =	ssyncset.done $0x0  }
0x34: {  	s21 =	simm.s32 $0x2880;
	[sflag:s28] =	ssyncadd.s32 $0xFFFFF000  }
0x35: {  	[spmem:s2] =	stream.indirect.scatter.add.f32 [tilespmem:s18], [sflag:$0x7], $0x20, s21, s16, $0xb8;
	[tilespmem:$0xF000] =	vst v63  }
0x36: {  	_ =	swait.ge [sflag:s29], $0x1000  }
0x37: {  	[sflag:s29] =	ssyncset.done $0x0  }
0x38: {  	s6 =	simm.s32 $0x300;
	[sflag:s29] =	ssyncadd.s32 $0xFFFFF000  }
0x39: {  	[tilespmem:s18], [sflag:$0x2] =	stream.indirect.gather [hbm4b:s4+s16], $0x20, s6, s16, $0xb8;
	[tilespmem:$0xF000] =	vst v63  }
0x3a: {  	_ =	swait.ge [sflag:s30], $0x1000  }
0x3b: {  	[sflag:s30] =	ssyncset.done $0x0  }
0x3c: {  	s21 =	simm.s32 $0x2900;
	[sflag:s30] =	ssyncadd.s32 $0xFFFFF000  }
0x3d: {  	[spmem:s2] =	stream.indirect.scatter.add.f32 [tilespmem:s20], [sflag:$0x8], $0x20, s21, s16, $0xb8;
	[tilespmem:$0xF000] =	vst v63  }
0x3e: {  	_ =	swait.ge [sflag:s31], $0x1000  }
0x3f: {  	[sflag:s31] =	ssyncset.done $0x0  }
0x40: {  	s6 =	simm.s32 $0x380;
	[sflag:s31] =	ssyncadd.s32 $0xFFFFF000  }
0x41: {  	[tilespmem:s20], [sflag:$0x3] =	stream.indirect.gather [hbm4b:s4+s16], $0x20, s6, s16, $0xb8;
	[tilespmem:$0xF000] =	vst v63  }
0x42: {  	_ =	swait.ge [sflag:s1], $0x1000  }
0x43: {  	[sflag:s1] =	ssyncset.done $0x0  }
0x44: {  	s21 =	simm.s32 $0x2980;
	[sflag:s1] =	ssyncadd.s32 $0xFFFFF000  }
0x45: {  	[spmem:s2] =	stream.indirect.scatter.add.f32 [tilespmem:s22], [sflag:$0x9], $0x20, s21, s16, $0xb8;
	[tilespmem:$0xF000] =	vst v63  }
0x46: {  	_ =	swait.ge [sflag:s0], $0x1000  }
0x47: {  	[sflag:s0] =	ssyncset.done $0x0  }
0x48: {  	s6 =	simm.s32 $0x400;
	[sflag:s0] =	ssyncadd.s32 $0xFFFFF000  }
0x49: {  	[tilespmem:s22], [sflag:$0x4] =	stream.indirect.gather [hbm4b:s4+s16], $0x20, s6, s16, $0xb8;
	[tilespmem:$0xF000] =	vst v63  }
0x4a: {  	_ =	swait.ge [sflag:s12], $0x1000  }
0x4b: {  	[sflag:s12] =	ssyncset.done $0x0  }
0x4c: {  	s21 =	simm.s32 $0x2A00;
	[sflag:s12] =	ssyncadd.s32 $0xFFFFF000  }
0x4d: {  	[spmem:s2] =	stream.indirect.scatter.add.f32 [tilespmem:s24], [sflag:$0xA], $0x20, s21, s16, $0xb8;
	[tilespmem:$0xF000] =	vst v63  }
0x4e: {  	_ =	swait.ge [sflag:s19], $0x1000  }
0x4f: {  	[sflag:s19] =	ssyncset.done $0x0  }
0x50: {  	s5 =	simm.s32 $0x480;
	s21 =	simm.s32 $0xA00;
	[sflag:s19] =	ssyncadd.s32 $0xFFFFF000  }
.LBB2_2:
0x51: {  	[tilespmem:s24], [sflag:$0x5] =	stream.indirect.gather [hbm4b:s4+s16], $0x20, s5, s16, $0xb8;
	[tilespmem:$0xF000] =	vst v63  }
0x52: {  	s5 =	smov.u32 s21  }
0x53: {  	p0 =	sne.s32 s21, $0x8C00;
	s21 =	sadd.s32 $0xA00, s21;
	_ =	swait.ge [sflag:s25], $0x1000  }
0x54: {  	s5 =	sshra.s32 s5, $0x2;
	[sflag:s25] =	ssyncset.done $0x0  }
0x55: {  	s6 =	sadd.s32 $0x2800, s5;
	[sflag:s25] =	ssyncadd.s32 $0xFFFFF000  }
0x56: {  	[spmem:s2] =	stream.indirect.scatter.add.f32 [tilespmem:s17], [sflag:$0x6], $0x20, s6, s16, $0xb8;
	[tilespmem:$0xF000] =	vst v63  }
0x57: {  	_ =	swait.ge [sflag:s26], $0x1000  }
0x58: {  	[sflag:s26] =	ssyncset.done $0x0  }
0x59: {  	s6 =	sadd.s32 $0x280, s5;
	[sflag:s26] =	ssyncadd.s32 $0xFFFFF000  }
0x5a: {  	[tilespmem:s17], [sflag:$0x1] =	stream.indirect.gather [hbm4b:s4+s16], $0x20, s6, s16, $0xb8;
	[tilespmem:$0xF000] =	vst v63  }
0x5b: {  	_ =	swait.ge [sflag:s28], $0x1000  }
0x5c: {  	[sflag:s28] =	ssyncset.done $0x0  }
0x5d: {  	s6 =	sadd.s32 $0x2880, s5;
	[sflag:s28] =	ssyncadd.s32 $0xFFFFF000  }
0x5e: {  	[spmem:s2] =	stream.indirect.scatter.add.f32 [tilespmem:s18], [sflag:$0x7], $0x20, s6, s16, $0xb8;
	[tilespmem:$0xF000] =	vst v63  }
0x5f: {  	_ =	swait.ge [sflag:s29], $0x1000  }
0x60: {  	[sflag:s29] =	ssyncset.done $0x0  }
0x61: {  	s6 =	sadd.s32 $0x300, s5;
	[sflag:s29] =	ssyncadd.s32 $0xFFFFF000  }
0x62: {  	[tilespmem:s18], [sflag:$0x2] =	stream.indirect.gather [hbm4b:s4+s16], $0x20, s6, s16, $0xb8;
	[tilespmem:$0xF000] =	vst v63  }
0x63: {  	_ =	swait.ge [sflag:s30], $0x1000  }
0x64: {  	[sflag:s30] =	ssyncset.done $0x0  }
0x65: {  	s6 =	sadd.s32 $0x2900, s5;
	[sflag:s30] =	ssyncadd.s32 $0xFFFFF000  }
0x66: {  	[spmem:s2] =	stream.indirect.scatter.add.f32 [tilespmem:s20], [sflag:$0x8], $0x20, s6, s16, $0xb8;
	[tilespmem:$0xF000] =	vst v63  }
0x67: {  	_ =	swait.ge [sflag:s31], $0x1000  }
0x68: {  	[sflag:s31] =	ssyncset.done $0x0  }
0x69: {  	s6 =	sadd.s32 $0x380, s5;
	[sflag:s31] =	ssyncadd.s32 $0xFFFFF000  }
0x6a: {  	[tilespmem:s20], [sflag:$0x3] =	stream.indirect.gather [hbm4b:s4+s16], $0x20, s6, s16, $0xb8;
	[tilespmem:$0xF000] =	vst v63  }
0x6b: {  	_ =	swait.ge [sflag:s1], $0x1000  }
0x6c: {  	[sflag:s1] =	ssyncset.done $0x0  }
0x6d: {  	s6 =	sadd.s32 $0x2980, s5;
	[sflag:s1] =	ssyncadd.s32 $0xFFFFF000  }
0x6e: {  	[spmem:s2] =	stream.indirect.scatter.add.f32 [tilespmem:s22], [sflag:$0x9], $0x20, s6, s16, $0xb8;
	[tilespmem:$0xF000] =	vst v63  }
0x6f: {  	_ =	swait.ge [sflag:s0], $0x1000  }
0x70: {  	[sflag:s0] =	ssyncset.done $0x0  }
0x71: {  	s6 =	sadd.s32 $0x400, s5;
	[sflag:s0] =	ssyncadd.s32 $0xFFFFF000  }
0x72: {  	[tilespmem:s22], [sflag:$0x4] =	stream.indirect.gather [hbm4b:s4+s16], $0x20, s6, s16, $0xb8;
	[tilespmem:$0xF000] =	vst v63  }
0x73: {  	_ =	swait.ge [sflag:s12], $0x1000  }
0x74: {  	[sflag:s12] =	ssyncset.done $0x0  }
.Ltmp0:
0x75: {  	s6 =	sadd.s32 $0x2A00, s5;
	[sflag:s12] =	ssyncadd.s32 $0xFFFFF000;
	(pc) =	sbr.rel @p0 .LBB2_2-.Ltmp0, $4  }
0x76: {  	[spmem:s2] =	stream.indirect.scatter.add.f32 [tilespmem:s24], [sflag:$0xA], $0x20, s6, s16, $0xb8;
	[tilespmem:$0xF000] =	vst v63  }
0x77: {  	_ =	swait.ge [sflag:s19], $0x1000  }
0x78: {  	[sflag:s19] =	ssyncset.done $0x0  }
0x79: {  	s5 =	sadd.s32 $0x480, s5;
	[sflag:s19] =	ssyncadd.s32 $0xFFFFF000  }
0x7a: {  	[tilespmem:s24], [sflag:$0x5] =	stream.indirect.gather [hbm4b:s4+s16], $0x20, s5, s16, $0xb8;
	[tilespmem:$0xF000] =	vst v63  }
0x7b: {  	_ =	swait.ge [sflag:s25], $0x1000  }
0x7c: {  	[sflag:s25] =	ssyncset.done $0x0  }
0x7d: {  	s6 =	simm.s32 $0x4D80;
	[sflag:s25] =	ssyncadd.s32 $0xFFFFF000  }
0x7e: {  	[spmem:s2] =	stream.indirect.scatter.add.f32 [tilespmem:s17], [sflag:$0x6], $0x20, s6, s16, $0xb8;
	[tilespmem:$0xF000] =	vst v63  }
0x7f: {  	_ =	swait.ge [sflag:s28], $0x1000  }
0x80: {  	[sflag:s28] =	ssyncset.done $0x0  }
0x81: {  	s21 =	simm.s32 $0x4E00;
	[sflag:s28] =	ssyncadd.s32 $0xFFFFF000  }
0x82: {  	[spmem:s2] =	stream.indirect.scatter.add.f32 [tilespmem:s18], [sflag:$0x7], $0x20, s21, s16, $0xb8;
	[tilespmem:$0xF000] =	vst v63  }
0x83: {  	_ =	swait.ge [sflag:s30], $0x1000  }
0x84: {  	[sflag:s30] =	ssyncset.done $0x0  }
0x85: {  	s6 =	simm.s32 $0x4E80;
	[sflag:s30] =	ssyncadd.s32 $0xFFFFF000  }
0x86: {  	[spmem:s2] =	stream.indirect.scatter.add.f32 [tilespmem:s20], [sflag:$0x8], $0x20, s6, s16, $0xb8;
	[tilespmem:$0xF000] =	vst v63  }
0x87: {  	_ =	swait.ge [sflag:s1], $0x1000  }
0x88: {  	[sflag:s1] =	ssyncset.done $0x0  }
0x89: {  	s21 =	simm.s32 $0x4F00;
	[sflag:s1] =	ssyncadd.s32 $0xFFFFF000  }
0x8a: {  	[spmem:s2] =	stream.indirect.scatter.add.f32 [tilespmem:s22], [sflag:$0x9], $0x20, s21, s16, $0xb8;
	[tilespmem:$0xF000] =	vst v63  }
0x8b: {  	_ =	swait.ge [sflag:s12], $0x1000  }
0x8c: {  	[sflag:s12] =	ssyncset.done $0x0  }
0x8d: {  	s6 =	simm.s32 $0x4F80;
	[sflag:s12] =	ssyncadd.s32 $0xFFFFF000  }
0x8e: {  	[spmem:s2] =	stream.indirect.scatter.add.f32 [tilespmem:s24], [sflag:$0xA], $0x20, s6, s16, $0xb8;
	[tilespmem:$0xF000] =	vst v63  }
0x8f: {  	_ =	swait.ge [sflag:s26], $0x1000  }
0x90: {  	[sflag:s26] =	ssyncset.done $0x0  }
0x91: {  	[sflag:s26] =	ssyncadd.s32 $0xFFFFF000  }
0x92: {  	_ =	swait.ge [sflag:s29], $0x1000  }
0x93: {  	[sflag:s29] =	ssyncset.done $0x0  }
0x94: {  	[sflag:s29] =	ssyncadd.s32 $0xFFFFF000  }
0x95: {  	_ =	swait.ge [sflag:s31], $0x1000  }
0x96: {  	[sflag:s31] =	ssyncset.done $0x0  }
0x97: {  	[sflag:s31] =	ssyncadd.s32 $0xFFFFF000  }
0x98: {  	_ =	swait.ge [sflag:s0], $0x1000  }
0x99: {  	[sflag:s0] =	ssyncset.done $0x0  }
0x9a: {  	[sflag:s0] =	ssyncadd.s32 $0xFFFFF000  }
0x9b: {  	_ =	swait.ge [sflag:s19], $0x1000  }
0x9c: {  	s23 =	sadd.s32 $0x1, s23;
	[sflag:s19] =	ssyncset.done $0x0  }
0x9d: {  	p0 =	sne.s32 s23, s9;
	[sflag:s19] =	ssyncadd.s32 $0xFFFFF000  }
.Ltmp1:
0x9e: {  	s21 =	sor.u32 $0x1C0C, s10;
	[bflag:$0x0] =	sbarrier.arrive $0xFFFF;
	(pc) =	sbr.rel @p0 .LBB2_1-.Ltmp1, $4  }
0x9f: {  	[hbm:s8], [sflag:s21] =	dma.local [spmem:s14], $0xA00  }
0xa0: {  	_ =	swait.ge [sflag:s11], $0xA00  }
0xa1: {  	[sflag:s11] =	ssyncset.done $0x0  }
0xa2: {  	[sflag:s11] =	ssyncadd.s32 $0xFFFFF600  }
0xa3: {  	_ =	sfence.sel $0x180000  }
0xa4: {  	[bflag:$0x0] =	sbarrier.arrive $0xFFFF  }
0xa5: {  	_ =	strace $0x9000004A  }
0xa6: {  	s0 =	stileid.u32;
	[bflag:$0x2] =	sbarrier.arrive $0xFFFF  }
0xa7: {  	p0 =	sne.s32 s0, $0x0;
	s0 =	rddreg [dreg:$0x2]  }
0xa8: {  	s0 =	sadd.s32 @!p0 $0x100000, s0  }
0xa9: {  	[sflag:s0] =	ssyncadd.tile.s32 @!p0 $0x1;
	_ =	shalt  }
.Lfunc_end2:
_tile_overlayer_lowered:
.L_overlay_start_2:
0xaa: {  	(tag) =	ssettag $0x2  }
0xab: {  	s0 =	rddreg [dreg:$0x0];
	s2 =	stileid.u32  }
0xac: {  	s1 =	rddreg [dreg:$0x1];
	p0 =	sne.s32 s2, $0x0  }
0xad: {  	s3 =	rddreg [dreg:$0x2];
	[bflag:$0x3] =	sbarrier.arrive $0xFFFF;
	s2 =	simm.s32 @!p0 $0x1C0C  }
0xae: {  	[timem:s3], [sflag:s2] =	dma.local @!p0 [hbm:s0], s1  }
0xaf: {  	s0 =	simm.s32 @!p0 $0xC  }
0xb0: {  	_ =	swait.ge @!p0 [sflag:s0], s1  }
0xb1: {  	s1 =	ssub.s32 @!p0 $0x0, s1;
	[sflag:s0] =	ssyncset.done @!p0 $0x0  }
0xb2: {  	[sflag:s0] =	ssyncadd.s32 @!p0 s1  }
0xb3: {  	[bflag:$0x3] =	sbarrier.arrive $0xFFFF  }
0xb4: {  	_ =	shalt  }

// kernel: kernel.7.cloned.1.call-start
scs
__scs_entry_jumppad:
0x0: {  	(pc) =	sbr.rel $0x88, $3  }
0x1: {  	(tag) =	ssettag $0x0;
	lr =	simm.s32 $0x1  }
0x2: {  	[smem:$0x3F99] =	sst lr;
	_ =	strace $0xD0000000  }
0x3: {  	_ = 	snop  }
0x4: {  	_ = 	snop  }
0x5: {  	_ = 	snop  }
0x6: {  	_ = 	snop  }
0x7: {  	_ = 	snop  }
__scs_overlays_trampoline_lowered:
0x8: {  	[smem:$0x3FA8] =	sst s0  }
0x9: {  	[smem:$0x3FA9] =	sst s1  }
0xa: {  	[smem:$0x3FAA] =	sst s2  }
0xb: {  	[smem:$0x3FAB] =	sst s3  }
0xc: {  	[smem:$0x3FAC] =	sst s4  }
0xd: {  	[smem:$0x3FAD] =	sst s5  }
0xe: {  	[smem:$0x3FAE] =	sst s6  }
0xf: {  	[smem:$0x3FAF] =	sst s7  }
0x10: {  	[smem:$0x3FB0] =	sst s8  }
0x11: {  	[smem:$0x3FB1] =	sst s9;
	s0 =	simm.s32 @!p0 $0x0  }
0x12: {  	s1 =	sld [smem:$0x3F97];
	s0 =	simm.s32 @p0 $0x1  }
0x13: {  	[smem:$0x3FB2] =	sst s0;
	s0 =	simm.s32 @!p1 $0x0  }
0x14: {  	s2 =	sld [smem:$0x3F96];
	s0 =	simm.s32 @p1 $0x1  }
0x15: {  	[smem:$0x3FB3] =	sst s0;
	s0 =	simm.s32 @!p2 $0x0  }
0x16: {  	s3 =	sld [smem:$0x3FDB];
	s0 =	simm.s32 @p2 $0x1  }
0x17: {  	s4 =	simm.s32 $0x1BF5;
	[smem:$0x3FB5] =	sst s0  }
0x18: {  	s0 =	sld [smem:$0x3F98];
	_ =	swait.ge [sflag:s4], $0x0  }
0x19: {  	s7 =	sld [smem:$0x3F99]  }
0x1a: {  	s8 =	sadd.s32 $0xFFFFE003, lr  }
0x1b: {  	s9 =	sadd.s32 $0xFFFFFEF7, lr;
	s5 =	simm.s32 $0xFFFFFFFF;
	p2 =	slt.u32 s8, $0xFFFFF086  }
0x1c: {  	p1 =	slt.u32 s9, $0xF7A;
	s5 =	simm.s32 @!p2 $0x0  }
0x1d: {  	s5 =	simm.s32 @p1 $0x1;
	p0 =	seq.s32 s7, s2  }
0x1e: {  	s7 =	smul.u32 @!p0 $0xF7A, s2;
	p2 =	seq.s32 @!p0 s5, $0x0  }
0x1f: {  	s9 =	smul.u32 $0xF7A, s1;
	s8 =	simm.s32 @!p0 $0x1BF5;
	p2 =	por !p2, p0  }
0x20: {  	[sflag:s8] =	ssyncset.s32 @!p0 $0xFFFFF086;
	s6 =	sadd.s32 @!p0 s3, s7;
	s7 =	simm.s32 @!p0 $0x108  }
0x21: {  	s3 =	sadd.s32 s3, s9;
	s6 =	sadd.s32 @!p0 $0x88, s6;
	s7 =	simm.s32 @p2 $0x1082  }
0x22: {  	[simem:s7], [sflag:s8] =	dma.local @!p0 [hbm:s6], $0xF7A  }
0x23: {  	s9 =	sor.u32 $0xD0000000, s2;
	s6 =	simm.s32 $0x108;
	_ =	swait.ge @!p0 [sflag:s8], $0x0  }
0x24: {  	s3 =	sadd.s32 $0x88, s3;
	s6 =	simm.s32 @!p1 $0x1082;
	[sflag:s4] =	ssyncset.s32 $0xFFFFF086  }
0x25: {  	[simem:s6], [sflag:s4] =	dma.local [hbm:s3], $0xF7A  }
0x26: {  	[smem:$0x3F99] =	sst s1;
	(tag) =	ssettag s2;
	_ =	strace s9  }
0x27: {  	s1 =	sld [smem:$0x3FA9]  }
0x28: {  	s2 =	sld [smem:$0x3FAA]  }
0x29: {  	s4 =	sld [smem:$0x3FAC]  }
0x2a: {  	p0 =	seq.s32 s5, $0x0;
	s5 =	sld [smem:$0x3FAD]  }
0x2b: {  	s6 =	sld [smem:$0x3FAE]  }
0x2c: {  	s7 =	sld [smem:$0x3FAF]  }
0x2d: {  	s3 =	simm.s32 $0x108;
	s8 =	sld [smem:$0x3FB0]  }
0x2e: {  	s3 =	simm.s32 @!p0 $0x1082;
	s9 =	sld [smem:$0x3FB1]  }
0x2f: {  	lr =	sadd.s32 s0, s3;
	s0 =	sld [smem:$0x3FA8]  }
0x30: {  	s3 =	sld [smem:$0x3FAB]  }
0x31: {  	[smem:$0x3FB4] =	sst s10  }
0x32: {  	s10 =	sld [smem:$0x3FB2];
	_ =	sdelay $0x3  }
0x33: {  	p0 =	seq.s32 s10, $0x1;
	s10 =	sld [smem:$0x3FB4];
	_ =	sdelay $0x3  }
0x34: {  	[smem:$0x3FB4] =	sst s10  }
0x35: {  	s10 =	sld [smem:$0x3FB3];
	_ =	sdelay $0x3  }
0x36: {  	p1 =	seq.s32 s10, $0x1;
	s10 =	sld [smem:$0x3FB4];
	_ =	sdelay $0x3  }
0x37: {  	[smem:$0x3FB4] =	sst s10  }
0x38: {  	s10 =	sld [smem:$0x3FB5]  }
0x39: {  	_ = 	snop;
	(pc) =	sbr.ind lr, $3  }
0x3a: {  	_ = 	snop  }
0x3b: {  	_ = 	snop  }
0x3c: {  	p2 =	seq.s32 s10, $0x1;
	s10 =	sld [smem:$0x3FB4]  }
0x3d: {  	_ =	shalt  }
0x3e: {  	_ =	shalt  }
0x3f: {  	_ =	shalt  }
0x40: {  	_ =	shalt  }
0x41: {  	_ =	shalt  }
0x42: {  	_ =	shalt  }
0x43: {  	_ =	shalt  }
0x44: {  	_ =	shalt  }
0x45: {  	_ =	shalt  }
0x46: {  	_ =	shalt  }
0x47: {  	_ =	shalt  }
0x48: {  	_ =	shalt  }
0x49: {  	_ =	shalt  }
0x4a: {  	_ =	shalt  }
0x4b: {  	_ =	shalt  }
0x4c: {  	_ =	shalt  }
0x4d: {  	_ =	shalt  }
0x4e: {  	_ =	shalt  }
0x4f: {  	_ =	shalt  }
0x50: {  	_ =	shalt  }
0x51: {  	_ =	shalt  }
0x52: {  	_ =	shalt  }
0x53: {  	_ =	shalt  }
0x54: {  	_ =	shalt  }
0x55: {  	_ =	shalt  }
0x56: {  	_ =	shalt  }
0x57: {  	_ =	shalt  }
0x58: {  	_ =	shalt  }
0x59: {  	_ =	shalt  }
0x5a: {  	_ =	shalt  }
0x5b: {  	_ =	shalt  }
0x5c: {  	_ =	shalt  }
0x5d: {  	_ =	shalt  }
0x5e: {  	_ =	shalt  }
0x5f: {  	_ =	shalt  }
0x60: {  	_ =	shalt  }
0x61: {  	_ =	shalt  }
0x62: {  	_ =	shalt  }
0x63: {  	_ =	shalt  }
0x64: {  	_ =	shalt  }
0x65: {  	_ =	shalt  }
0x66: {  	_ =	shalt  }
0x67: {  	_ =	shalt  }
0x68: {  	_ =	shalt  }
0x69: {  	_ =	shalt  }
0x6a: {  	_ =	shalt  }
0x6b: {  	_ =	shalt  }
0x6c: {  	_ =	shalt  }
0x6d: {  	_ =	shalt  }
0x6e: {  	_ =	shalt  }
0x6f: {  	_ =	shalt  }
0x70: {  	_ =	shalt  }
0x71: {  	_ =	shalt  }
0x72: {  	_ =	shalt  }
0x73: {  	_ =	shalt  }
0x74: {  	_ =	shalt  }
0x75: {  	_ =	shalt  }
0x76: {  	_ =	shalt  }
0x77: {  	_ =	shalt  }
0x78: {  	_ =	shalt  }
0x79: {  	_ =	shalt  }
0x7a: {  	_ =	shalt  }
0x7b: {  	_ =	shalt  }
0x7c: {  	_ =	shalt  }
0x7d: {  	_ =	shalt  }
0x7e: {  	_ =	shalt  }
0x7f: {  	_ =	shalt  }
0x80: {  	_ =	shalt  }
0x81: {  	_ =	shalt  }
0x82: {  	_ =	shalt  }
0x83: {  	_ =	shalt  }
0x84: {  	_ =	shalt  }
0x85: {  	_ =	shalt  }
0x86: {  	_ =	shalt  }
0x87: {  	_ =	shalt  }
.Lfunc_end0:
.L_simem_size_0:
called_computation_lowered:
.L_overlay_start_0:
0x88: {  	s2 =	sld [smem:$0x3FD9]  }
0x89: {  	s3 =	sld [smem:$0x3FFE];
	_ =	sdelay $0x1  }
0x8a: {  	s1 =	srdreg.scid  }
0x8b: {  	s0 =	sand.u32 $0x1, s1  }
0x8c: {  	s17 =	sshll.u32 s0, $0xA;
	s2 =	sadd.s32 s3, s2  }
0x8d: {  	s2 =	sadd.s32 s2, s17  }
0x8e: {  	[smem:$0x3FC0] =	sst s2  }
0x8f: {  	_ = 	snop  }
0x90: {  	s2 =	sld [smem:$0x3FD0];
	(tm) =	ssettm $0x1  }
0x91: {  	s18 =	sld [smem:$0x3FFB];
	_ =	sdelay $0x3  }
0x92: {  	_ =	strace s18  }
0x93: {  	s3 =	sld [smem:$0x3FFC];
	_ =	sdelay $0x3  }
0x94: {  	_ =	strace s3  }
0x95: {  	s3 =	sld [smem:$0x3FFD];
	_ =	sdelay $0x3  }
0x96: {  	_ =	strace s3  }
0x97: {  	_ =	strace $0x8FFFFFFF  }
0x98: {  	s19 =	sld [smem:$0x3FDB];
	_ =	sdelay $0x1  }
0x99: {  	s4 =	simm.s32 $_scs_section_size  }
0x9a: {  	s5 =	simm.s32 $_size__tile_overlayer_lowered;
	s6 =	simm.s32 $_tile_overlayer_lowered  }
0x9b: {  	s22 =	simm.s32 $0x1BFF;
	s21 =	sshll.u32 s6, $0x1;
	s3 =	sadd.s32 s4, s19  }
0x9c: {  	s7 =	simm.s32 $0x0;
	s20 =	sshll.u32 s5, $0x1;
	s5 =	sadd.s32 s21, s3  }
0x9d: {  	[timem:s7], [sflag:s22] =	dma.local [hbm:s5], s20  }
0x9e: {  	_ =	swait.ge [sflag:s22], s20  }
0x9f: {  	s4 =	ssub.s32 $0x0, s20;
	[sflag:s22] =	ssyncset.done $0x0  }
0xa0: {  	[sflag:s22] =	ssyncadd.s32 s4;
	_ =	sdelay $0x1  }
0xa1: {  	s23 =	simm.s32 $0x1B8B  }
0xa2: {  	_ =	swait.ge [sflag:s23], $0x1  }
0xa3: {  	[sflag:s23] =	ssyncset.done $0x0  }
0xa4: {  	s25 =	simm.s32 $0x1B8E;
	s24 =	sld [smem:$0x3FFE];
	[sflag:s23] =	ssyncadd.s32 $0xFFFFFFFF  }
0xa5: {  	s26 =	simm.s32 $execute0_lowered;
	[smem:$0x3FD2] =	sst s25  }
0xa6: {  	s5 =	sshll.u32 s26, $0x1;
	_ =	strace $0x80000046;
	[dreg:$0x1] =	wrdreg $0xFFFFFFFF  }
0xa7: {  	s28 =	simm.s32 $_size_execute0_lowered;
	s3 =	sadd.s32 s3, s5;
	[dreg:$0x0] =	wrdreg $0x0  }
0xa8: {  	s5 =	sshll.u32 s28, $0x1;
	[dreg:$0x2] =	wrdreg s3  }
0xa9: {  	[dreg:$0x3] =	wrdreg s5  }
0xaa: {  	[dreg:$0x4] =	wrdreg $0xC0  }
0xab: {  	_ =	task [dreg:s7], $0x5FFFF  }
0xac: {  	[dreg:$0x1] =	wrdreg $0xFFFFFFFF  }
0xad: {  	[dreg:$0x0] =	wrdreg $0x60  }
0xae: {  	[dreg:$0x2] =	wrdreg s24  }
0xaf: {  	[dreg:$0x3] =	wrdreg s2  }
0xb0: {  	[dreg:$0x4] =	wrdreg $0xF0000  }
0xb1: {  	[dreg:$0x5] =	wrdreg $0x9  }
0xb2: {  	_ =	task.clear_ibuf [dreg:s7], $0x6FFFF;
	_ =	strace $0x90000046  }
0xb3: {  	s29 =	simm.s32 $0x9;
	_ =	strace $0x80000048  }
0xb4: {  	_ =	swait.ge [sflag:s29], $0x1  }
0xb5: {  	[sflag:s29] =	ssyncadd.s32 $0xFFFFFFFF  }
0xb6: {  	_ =	strace $0x90000048  }
0xb7: {  	_ =	sfence  }
0xb8: {  	s30 =	sld [smem:$0x0];
	_ =	sdelay $0x2  }
0xb9: {  	s31 =	sshll.u32 s1, $0xD;
	s1 =	sshrl.u32 s1, $0x2  }
0xba: {  	s3 =	sand.u32 $0x4000, s31;
	s1 =	sadd.s32 s1, s30  }
0xbb: {  	s0 =	sor.u32 s3, s0;
	s1 =	sshll.u32 s1, $0x11  }
0xbc: {  	s0 =	sor.u32 s1, s0  }
0xbd: {  	s0 =	sadd.s32 $0x8F2B, s0  }
0xbe: {  	[sflag:s0] =	ssyncadd.remote.s32 $0x1  }
0xbf: {  	_ =	sfence.sel $0xFFFF  }
0xc0: {  	[dreg:$0x0] =	wrdreg $0xFFFFFFFF;
	(pc) =	sbr.abs _section_cstart, $3  }
0xc1: {  	[dreg:$0x1] =	wrdreg $0xFFFFFFFF  }
0xc2: {  	_ =	task.clear_ibuf [dreg:s7], $0x2FFFF;
	_ =	strace $0x9FFFFFFF  }
0xc3: {  	(tm) =	ssettm $0x7FFFFFFF  }
tec
execute0_lowered:
.L_overlay_start_1:
0x0: {  	(tag) =	ssettag $0x1  }
0x1: {  	s0 =	srdreg.scid  }
0x2: {  	s1 =	rddreg [dreg:$0x0];
	s11 =	stileid.u32  }
0x3: {  	s3 =	rddreg [dreg:$0x2];
	s4 =	simm.s32 $0x0;
	s12 =	simm.s32 $0xC  }
0x4: {  	s17 =	simm.s32 $0xB;
	s18 =	simm.s32 $0x19000;
	s19 =	simm.s32 $0x80  }
0x5: {  	s20 =	simm.s32 $0x5000;
	s28 =	simm.s32 $0xD000;
	s29 =	simm.s32 $0x1  }
0x6: {  	s30 =	simm.s32 $0x2;
	s31 =	simm.s32 $0x3;
	s13 =	simm.s32 $0x7  }
0x7: {  	s0 =	sand.u32 $0x1, s0;
	s6 =	smul.u32 $0xA000, s11;
	[smem:$0x7FF] =	sst s4  }
0x8: {  	s5 =	sadd.s32 $0x1A00, s1;
	s10 =	smul.u32 $0x2800, s11;
	s14 =	sshll.u32 s11, $0x6  }
0x9: {  	s2 =	sshll.u32 s0, $0x4;
	s7 =	smul.u32 $0xA0000, s0;
	_ =	strace $0x80000047  }
0xa: {  	s8 =	smul.u32 $0x28000, s0;
	s0 =	ssub.s32 $0x2, s0;
	s26 =	sor.u32 $0x1C0B, s14  }
0xb: {  	s2 =	sor.u32 s11, s2;
	s9 =	sshrl.u32 s6, $0x3;
	s21 =	sshrl.u32 s0, $0x1  }
0xc: {  	s23 =	sadd.s32 s6, s3;
	[dreg:$0xa] =	wrdreg s26;
	s26 =	simm.s32 $0xA  }
0xd: {  	s2 =	smul.u32 $0x500, s2;
	s9 =	sadd.s32 s9, s1;
	s7 =	sadd.s32 s6, s7  }
0xe: {  	s8 =	sadd.s32 s10, s8;
	s0 =	ssub.s32 s0, s21;
	s16 =	sshrl.u32 s23, $0x3  }
0xf: {  	s21 =	simm.s32 $0x7000;
	s23 =	simm.s32 $0x9000;
	s6 =	simm.s32 $0x0  }
0x10: {  	s7 =	sshrl.u32 s7, $0x3;
	s8 =	sshrl.u32 s8, $0x3;
	s24 =	sadd.s32 $0x29A00, s9  }
0x11: {  	s0 =	smax.u32 s0, $0x1;
	s2 =	sadd.s32 s2, s1;
	[dreg:$0x6] =	wrdreg s24  }
0x12: {  	s7 =	sadd.s32 s7, s1;
	[dreg:$0x9] =	wrdreg s0;
	s22 =	sadd.s32 $0x15A00, s2  }
.Ltmp0:
0x13: {  	s2 =	sadd.s32 $0x1FA00, s2;
	[dreg:$0x4] =	wrdreg s22;
	(pc) =	sbr.rel .LBB2_1-.Ltmp0, $4  }
0x14: {  	s1 =	sadd.s32 s8, s1;
	s25 =	sadd.s32 $0x47A00, s7;
	[dreg:$0x5] =	wrdreg s2  }
0x15: {  	s0 =	simm.s32 $0x5;
	s1 =	sadd.s32 $0x3DA00, s1;
	[dreg:$0x7] =	wrdreg s25  }
0x16: {  	s24 =	simm.s32 $0x9;
	[dreg:$0x8] =	wrdreg s1;
	s25 =	simm.s32 $0xB000  }
0x17: {  	v0 =	vimm.f32 $1.000000000e+00;
	s1 =	simm.s32 $0x4;
	s2 =	simm.s32 $0x6;
	s22 =	simm.s32 $0x8  }
.LBB2_4:
0x18: {  	_ =	swait.ge [sflag:s2], $0x2000  }
0x19: {  	[sflag:s2] =	ssyncset.done $0x0  }
0x1a: {  	[sflag:s2] =	ssyncadd.s32 $0xFFFFE000  }
0x1b: {  	_ =	swait.ge [sflag:s13], $0x2000  }
0x1c: {  	[sflag:s13] =	ssyncset.done $0x0  }
0x1d: {  	[sflag:s13] =	ssyncadd.s32 $0xFFFFE000  }
0x1e: {  	_ =	swait.ge [sflag:s22], $0x2000  }
0x1f: {  	[sflag:s22] =	ssyncset.done $0x0  }
0x20: {  	[sflag:s22] =	ssyncadd.s32 $0xFFFFE000  }
0x21: {  	_ =	swait.ge [sflag:s24], $0x2000  }
0x22: {  	[sflag:s24] =	ssyncset.done $0x0  }
0x23: {  	[sflag:s24] =	ssyncadd.s32 $0xFFFFE000  }
0x24: {  	_ =	swait.ge [sflag:s26], $0x2000  }
0x25: {  	[sflag:s26] =	ssyncset.done $0x0  }
0x26: {  	[sflag:s26] =	ssyncadd.s32 $0xFFFFE000  }
0x27: {  	[bflag:$0x0] =	sbarrier.arrive $0xFFFF  }
0x28: {  	s7 =	sor.u32 $0x1C0C, s14;
	s8 =	rddreg [dreg:$0x7]  }
0x29: {  	[hbm:s8], [sflag:s7] =	dma.local [spmem:s16], $0x1400  }
0x2a: {  	_ =	swait.ge [sflag:s12], $0x1400  }
0x2b: {  	[sflag:s12] =	ssyncset.done $0x0  }
0x2c: {  	s11 =	rddreg [dreg:$0x8];
	[sflag:s12] =	ssyncadd.s32 $0xFFFFEC00  }
0x2d: {  	[hbm4b:s11+s4] =	stream.linear.scatter [tilespmem:s18], [sflag:$0xC], $0x2800, $0x38;
	[tilespmem:$0x1B800] =	vst v63  }
0x2e: {  	_ =	swait.ge [sflag:s12], $0x2800  }
0x2f: {  	s6 =	sadd.s32 $0x1, s6;
	s15 =	rddreg [dreg:$0x9]  }
0x30: {  	p0 =	sne.s32 s6, s15  }
.Ltmp1:
0x31: {  	_ = 	snop;
	(pc) =	sbr.rel @!p0 .LBB2_5-.Ltmp1, $3  }
0x32: {  	_ =	sdelay $0x1  }
0x33: {  	[sflag:s12] =	ssyncset.done $0x0  }
0x34: {  	[sflag:s12] =	ssyncadd.s32 $0xFFFFD800  }
.LBB2_1:
0x35: {  	s7 =	rddreg [dreg:$0x4]  }
0x36: {  	[tilespmem:s4], [sflag:$0xC] =	stream.linear.gather [hbm4b:s7+s4], $0x2800, $0x38;
	[tilespmem:$0x1B800] =	vst v63  }
0x37: {  	_ =	swait.ge [sflag:s12], $0x2800  }
0x38: {  	[sflag:s12] =	ssyncset.done $0x0  }
0x39: {  	s8 =	simm.s32 $0x2800;
	s10 =	rddreg [dreg:$0x5];
	[sflag:s12] =	ssyncadd.s32 $0xFFFFD800  }
0x3a: {  	[tilespmem:s8], [sflag:$0xC] =	stream.linear.gather [hbm4b:s10+s4], $0x2800, $0x38;
	[tilespmem:$0x1B800] =	vst v63  }
0x3b: {  	_ =	swait.ge [sflag:s12], $0x2800  }
0x3c: {  	[sflag:s12] =	ssyncset.done $0x0;
	s11 =	rddreg [dreg:$0x6]  }
0x3d: {  	s15 =	rddreg [dreg:$0xa];
	[sflag:s12] =	ssyncadd.s32 $0xFFFFD800  }
0x3e: {  	[spmem:s16], [sflag:s15] =	dma.local [hbm:s11], $0x1400  }
0x3f: {  	_ =	swait.ge [sflag:s17], $0x1400  }
0x40: {  	[sflag:s17] =	ssyncset.done $0x0  }
0x41: {  	[sflag:s17] =	ssyncadd.s32 $0xFFFFEC00  }
0x42: {  	s9 =	rddreg [dreg:$0x1]  }
0x43: {  	[tilespmem:s18], [sflag:$0xB] =	stream.linear.gather [hbm4b:s9+s4], $0x2800, $0x38;
	[tilespmem:$0x1B800] =	vst v63  }
0x44: {  	_ =	swait.ge [sflag:s17], $0x2800  }
0x45: {  	[sflag:s17] =	ssyncset.done $0x0  }
0x46: {  	[sflag:s17] =	ssyncadd.s32 $0xFFFFD800  }
0x47: {  	[bflag:$0x0] =	sbarrier.arrive $0xFFFF  }
0x48: {  	[tilespmem:s20], [sflag:$0x1] =	stream.indirect.gather [hbm4b:s5+s19], $0x40, s4, s19, $0xb8;
	[tilespmem:$0x1B800] =	vst v63  }
0x49: {  	_ = 	snop  }
0x4a: {  	[tilespmem:s21], [sflag:$0x2] =	stream.indirect.gather [hbm4b:s5+s19], $0x40, s19, s19, $0xb8;
	[tilespmem:$0x1B800] =	vst v63  }
0x4b: {  	s10 =	simm.s32 $0x100  }
0x4c: {  	[tilespmem:s23], [sflag:$0x3] =	stream.indirect.gather [hbm4b:s5+s19], $0x40, s10, s19, $0xb8;
	[tilespmem:$0x1B800] =	vst v63  }
0x4d: {  	s11 =	simm.s32 $0x180  }
0x4e: {  	[tilespmem:s25], [sflag:$0x4] =	stream.indirect.gather [hbm4b:s5+s19], $0x40, s11, s19, $0xb8;
	[tilespmem:$0x1B800] =	vst v63  }
0x4f: {  	s7 =	simm.s32 $0x0;
	s15 =	simm.s32 $0x200  }
0x50: {  	[tilespmem:s28], [sflag:$0x5] =	stream.indirect.gather [hbm4b:s5+s19], $0x40, s15, s19, $0xb8;
	[tilespmem:$0x1B800] =	vst v63  }
.LBB2_2:
0x51: {  	_ =	swait.ge [sflag:s29], $0x2000  }
0x52: {  	s8 =	sshra.s32 s7, $0x2;
	[sflag:s29] =	ssyncset.done $0x0  }
0x53: {  	s9 =	sadd.s32 $0x2800, s8;
	[sflag:s29] =	ssyncadd.s32 $0xFFFFE000  }
0x54: {  	[spmem:s3] =	stream.indirect.scatter.add.f32 [tilespmem:s20], [sflag:$0x6], $0x40, s9, s19, $0xb8;
	[tilespmem:$0x1B800] =	vst v63  }
0x55: {  	v1 =	vld [tilespmem:s8+$0x2800];
	_ =	sdelay $0x7  }
0x56: {  	[tilespmem:v1+s18+$0x0] =	vst.idx.add.f32.msk $0xffff, v0  }
0x57: {  	v1 =	vld [tilespmem:s8+$0x2810];
	_ =	sdelay $0x7  }
0x58: {  	[tilespmem:v1+s18+$0x0] =	vst.idx.add.f32.msk $0xffff, v0  }
0x59: {  	v1 =	vld [tilespmem:s8+$0x2820];
	_ =	sdelay $0x7  }
0x5a: {  	[tilespmem:v1+s18+$0x0] =	vst.idx.add.f32.msk $0xffff, v0  }
0x5b: {  	v1 =	vld [tilespmem:s8+$0x2830];
	_ =	sdelay $0x7  }
0x5c: {  	[tilespmem:v1+s18+$0x0] =	vst.idx.add.f32.msk $0xffff, v0  }
0x5d: {  	v1 =	vld [tilespmem:s8+$0x2840];
	_ =	sdelay $0x7  }
0x5e: {  	[tilespmem:v1+s18+$0x0] =	vst.idx.add.f32.msk $0xffff, v0  }
0x5f: {  	v1 =	vld [tilespmem:s8+$0x2850];
	_ =	sdelay $0x7  }
0x60: {  	[tilespmem:v1+s18+$0x0] =	vst.idx.add.f32.msk $0xffff, v0  }
0x61: {  	v1 =	vld [tilespmem:s8+$0x2860];
	_ =	sdelay $0x7  }
0x62: {  	[tilespmem:v1+s18+$0x0] =	vst.idx.add.f32.msk $0xffff, v0  }
0x63: {  	v1 =	vld [tilespmem:s8+$0x2870];
	_ =	sdelay $0x6  }
0x64: {  	p0 =	seq.s32 s7, $0x9600  }
0x65: {  	s9 =	simm.s32 @!p0 $0x6;
	[tilespmem:v1+s18+$0x0] =	vst.idx.add.f32.msk $0xffff, v0  }
0x66: {  	_ =	swait.ge @!p0 [sflag:s9], $0x2000  }
0x67: {  	[sflag:s9] =	ssyncset.done @!p0 $0x0  }
0x68: {  	[sflag:s9] =	ssyncadd.s32 @!p0 $0xFFFFE000;
	s9 =	sshra.s32 @!p0 s7, $0x2  }
0x69: {  	s10 =	simm.s32 @!p0 $0x80;
	s15 =	simm.s32 @!p0 $0x5000;
	s11 =	sadd.s32 @!p0 $0x280, s9  }
0x6a: {  	[tilespmem:s15], [sflag:$0x1] =	stream.indirect.gather @!p0 [hbm4b:s5+s10], $0x40, s11, s10, $0xb8;
	[tilespmem:$0x1B800] =	vst v63  }
0x6b: {  	_ =	swait.ge [sflag:s30], $0x2000  }
0x6c: {  	[sflag:s30] =	ssyncset.done $0x0  }
0x6d: {  	s15 =	sadd.s32 $0x2880, s8;
	[sflag:s30] =	ssyncadd.s32 $0xFFFFE000  }
0x6e: {  	[spmem:s3] =	stream.indirect.scatter.add.f32 [tilespmem:s21], [sflag:$0x7], $0x40, s15, s19, $0xb8;
	[tilespmem:$0x1B800] =	vst v63  }
0x6f: {  	v1 =	vld [tilespmem:s8+$0x2880];
	_ =	sdelay $0x7  }
0x70: {  	[tilespmem:v1+s18+$0x0] =	vst.idx.add.f32.msk $0xffff, v0  }
0x71: {  	v1 =	vld [tilespmem:s8+$0x2890];
	_ =	sdelay $0x7  }
0x72: {  	[tilespmem:v1+s18+$0x0] =	vst.idx.add.f32.msk $0xffff, v0  }
0x73: {  	v1 =	vld [tilespmem:s8+$0x28A0];
	_ =	sdelay $0x7  }
0x74: {  	[tilespmem:v1+s18+$0x0] =	vst.idx.add.f32.msk $0xffff, v0  }
0x75: {  	v1 =	vld [tilespmem:s8+$0x28B0];
	_ =	sdelay $0x7  }
0x76: {  	[tilespmem:v1+s18+$0x0] =	vst.idx.add.f32.msk $0xffff, v0  }
0x77: {  	v1 =	vld [tilespmem:s8+$0x28C0];
	_ =	sdelay $0x7  }
0x78: {  	[tilespmem:v1+s18+$0x0] =	vst.idx.add.f32.msk $0xffff, v0  }
0x79: {  	v1 =	vld [tilespmem:s8+$0x28D0];
	_ =	sdelay $0x7  }
0x7a: {  	[tilespmem:v1+s18+$0x0] =	vst.idx.add.f32.msk $0xffff, v0  }
0x7b: {  	v1 =	vld [tilespmem:s8+$0x28E0];
	_ =	sdelay $0x7  }
0x7c: {  	[tilespmem:v1+s18+$0x0] =	vst.idx.add.f32.msk $0xffff, v0  }
0x7d: {  	v1 =	vld [tilespmem:s8+$0x28F0];
	_ =	sdelay $0x7  }
0x7e: {  	s11 =	simm.s32 @!p0 $0x7;
	[tilespmem:v1+s18+$0x0] =	vst.idx.add.f32.msk $0xffff, v0  }
0x7f: {  	_ =	swait.ge @!p0 [sflag:s11], $0x2000  }
0x80: {  	[sflag:s11] =	ssyncset.done @!p0 $0x0  }
0x81: {  	s15 =	simm.s32 @!p0 $0x7000;
	[sflag:s11] =	ssyncadd.s32 @!p0 $0xFFFFE000;
	s11 =	sadd.s32 @!p0 $0x300, s9  }
0x82: {  	[tilespmem:s15], [sflag:$0x2] =	stream.indirect.gather @!p0 [hbm4b:s5+s10], $0x40, s11, s10, $0xb8;
	[tilespmem:$0x1B800] =	vst v63  }
0x83: {  	_ =	swait.ge [sflag:s31], $0x2000  }
0x84: {  	[sflag:s31] =	ssyncset.done $0x0  }
0x85: {  	s15 =	sadd.s32 $0x2900, s8;
	[sflag:s31] =	ssyncadd.s32 $0xFFFFE000  }
0x86: {  	[spmem:s3] =	stream.indirect.scatter.add.f32 [tilespmem:s23], [sflag:$0x8], $0x40, s15, s19, $0xb8;
	[tilespmem:$0x1B800] =	vst v63  }
0x87: {  	v1 =	vld [tilespmem:s8+$0x2900];
	_ =	sdelay $0x7  }
0x88: {  	[tilespmem:v1+s18+$0x0] =	vst.idx.add.f32.msk $0xffff, v0  }
0x89: {  	v1 =	vld [tilespmem:s8+$0x2910];
	_ =	sdelay $0x7  }
0x8a: {  	[tilespmem:v1+s18+$0x0] =	vst.idx.add.f32.msk $0xffff, v0  }
0x8b: {  	v1 =	vld [tilespmem:s8+$0x2920];
	_ =	sdelay $0x7  }
0x8c: {  	[tilespmem:v1+s18+$0x0] =	vst.idx.add.f32.msk $0xffff, v0  }
0x8d: {  	v1 =	vld [tilespmem:s8+$0x2930];
	_ =	sdelay $0x7  }
0x8e: {  	[tilespmem:v1+s18+$0x0] =	vst.idx.add.f32.msk $0xffff, v0  }
0x8f: {  	v1 =	vld [tilespmem:s8+$0x2940];
	_ =	sdelay $0x7  }
0x90: {  	[tilespmem:v1+s18+$0x0] =	vst.idx.add.f32.msk $0xffff, v0  }
0x91: {  	v1 =	vld [tilespmem:s8+$0x2950];
	_ =	sdelay $0x7  }
0x92: {  	[tilespmem:v1+s18+$0x0] =	vst.idx.add.f32.msk $0xffff, v0  }
0x93: {  	v1 =	vld [tilespmem:s8+$0x2960];
	_ =	sdelay $0x7  }
0x94: {  	[tilespmem:v1+s18+$0x0] =	vst.idx.add.f32.msk $0xffff, v0  }
0x95: {  	v1 =	vld [tilespmem:s8+$0x2970];
	_ =	sdelay $0x7  }
0x96: {  	s11 =	simm.s32 @!p0 $0x8;
	[tilespmem:v1+s18+$0x0] =	vst.idx.add.f32.msk $0xffff, v0  }
0x97: {  	_ =	swait.ge @!p0 [sflag:s11], $0x2000  }
0x98: {  	[sflag:s11] =	ssyncset.done @!p0 $0x0  }
0x99: {  	s15 =	simm.s32 @!p0 $0x9000;
	[sflag:s11] =	ssyncadd.s32 @!p0 $0xFFFFE000;
	s11 =	sadd.s32 @!p0 $0x380, s9  }
0x9a: {  	[tilespmem:s15], [sflag:$0x3] =	stream.indirect.gather @!p0 [hbm4b:s5+s10], $0x40, s11, s10, $0xb8;
	[tilespmem:$0x1B800] =	vst v63  }
0x9b: {  	_ =	swait.ge [sflag:s1], $0x2000  }
0x9c: {  	[sflag:s1] =	ssyncset.done $0x0  }
0x9d: {  	s15 =	sadd.s32 $0x2980, s8;
	[sflag:s1] =	ssyncadd.s32 $0xFFFFE000  }
0x9e: {  	[spmem:s3] =	stream.indirect.scatter.add.f32 [tilespmem:s25], [sflag:$0x9], $0x40, s15, s19, $0xb8;
	[tilespmem:$0x1B800] =	vst v63  }
0x9f: {  	v1 =	vld [tilespmem:s8+$0x2980];
	_ =	sdelay $0x7  }
0xa0: {  	[tilespmem:v1+s18+$0x0] =	vst.idx.add.f32.msk $0xffff, v0  }
0xa1: {  	v1 =	vld [tilespmem:s8+$0x2990];
	_ =	sdelay $0x7  }
0xa2: {  	[tilespmem:v1+s18+$0x0] =	vst.idx.add.f32.msk $0xffff, v0  }
0xa3: {  	v1 =	vld [tilespmem:s8+$0x29A0];
	_ =	sdelay $0x7  }
0xa4: {  	[tilespmem:v1+s18+$0x0] =	vst.idx.add.f32.msk $0xffff, v0  }
0xa5: {  	v1 =	vld [tilespmem:s8+$0x29B0];
	_ =	sdelay $0x7  }
0xa6: {  	[tilespmem:v1+s18+$0x0] =	vst.idx.add.f32.msk $0xffff, v0  }
0xa7: {  	v1 =	vld [tilespmem:s8+$0x29C0];
	_ =	sdelay $0x7  }
0xa8: {  	[tilespmem:v1+s18+$0x0] =	vst.idx.add.f32.msk $0xffff, v0  }
0xa9: {  	v1 =	vld [tilespmem:s8+$0x29D0];
	_ =	sdelay $0x7  }
0xaa: {  	[tilespmem:v1+s18+$0x0] =	vst.idx.add.f32.msk $0xffff, v0  }
0xab: {  	v1 =	vld [tilespmem:s8+$0x29E0];
	_ =	sdelay $0x7  }
0xac: {  	[tilespmem:v1+s18+$0x0] =	vst.idx.add.f32.msk $0xffff, v0  }
0xad: {  	v1 =	vld [tilespmem:s8+$0x29F0];
	_ =	sdelay $0x7  }
0xae: {  	s11 =	simm.s32 @!p0 $0x9;
	[tilespmem:v1+s18+$0x0] =	vst.idx.add.f32.msk $0xffff, v0  }
0xaf: {  	_ =	swait.ge @!p0 [sflag:s11], $0x2000  }
0xb0: {  	[sflag:s11] =	ssyncset.done @!p0 $0x0  }
0xb1: {  	s9 =	sadd.s32 @!p0 $0x400, s9;
	[sflag:s11] =	ssyncadd.s32 @!p0 $0xFFFFE000;
	s11 =	simm.s32 @!p0 $0xB000  }
0xb2: {  	[tilespmem:s11], [sflag:$0x4] =	stream.indirect.gather @!p0 [hbm4b:s5+s10], $0x40, s9, s10, $0xb8;
	[tilespmem:$0x1B800] =	vst v63  }
0xb3: {  	_ =	swait.ge [sflag:s0], $0x2000  }
0xb4: {  	[sflag:s0] =	ssyncset.done $0x0  }
0xb5: {  	s15 =	sadd.s32 $0x2A00, s8;
	[sflag:s0] =	ssyncadd.s32 $0xFFFFE000  }
0xb6: {  	[spmem:s3] =	stream.indirect.scatter.add.f32 [tilespmem:s28], [sflag:$0xA], $0x40, s15, s19, $0xb8;
	[tilespmem:$0x1B800] =	vst v63  }
0xb7: {  	v1 =	vld [tilespmem:s8+$0x2A00];
	_ =	sdelay $0x7  }
0xb8: {  	[tilespmem:v1+s18+$0x0] =	vst.idx.add.f32.msk $0xffff, v0  }
0xb9: {  	v1 =	vld [tilespmem:s8+$0x2A10];
	_ =	sdelay $0x7  }
0xba: {  	[tilespmem:v1+s18+$0x0] =	vst.idx.add.f32.msk $0xffff, v0  }
0xbb: {  	v1 =	vld [tilespmem:s8+$0x2A20];
	_ =	sdelay $0x7  }
0xbc: {  	[tilespmem:v1+s18+$0x0] =	vst.idx.add.f32.msk $0xffff, v0  }
0xbd: {  	v1 =	vld [tilespmem:s8+$0x2A30];
	_ =	sdelay $0x7  }
0xbe: {  	[tilespmem:v1+s18+$0x0] =	vst.idx.add.f32.msk $0xffff, v0  }
0xbf: {  	v1 =	vld [tilespmem:s8+$0x2A40];
	_ =	sdelay $0x7  }
0xc0: {  	[tilespmem:v1+s18+$0x0] =	vst.idx.add.f32.msk $0xffff, v0  }
0xc1: {  	v1 =	vld [tilespmem:s8+$0x2A50];
	_ =	sdelay $0x7  }
0xc2: {  	[tilespmem:v1+s18+$0x0] =	vst.idx.add.f32.msk $0xffff, v0  }
0xc3: {  	v1 =	vld [tilespmem:s8+$0x2A60];
	_ =	sdelay $0x7  }
0xc4: {  	[tilespmem:v1+s18+$0x0] =	vst.idx.add.f32.msk $0xffff, v0  }
0xc5: {  	v1 =	vld [tilespmem:s8+$0x2A70];
	_ =	sdelay $0x3  }
.Ltmp2:
0xc6: {  	_ = 	snop;
	(pc) =	sbr.rel @p0 .LBB2_4-.Ltmp2, $2  }
0xc7: {  	_ =	sdelay $0x2  }
0xc8: {  	[tilespmem:v1+s18+$0x0] =	vst.idx.add.f32.msk $0xffff, v0  }
.Ltmp3:
0xc9: {  	(pc) =	sbr.rel .LBB2_2-.Ltmp3, $4  }
0xca: {  	_ =	swait.ge [sflag:s26], $0x2000  }
0xcb: {  	[sflag:s26] =	ssyncset.done $0x0  }
0xcc: {  	s8 =	sadd.s32 $0x480, s8;
	s7 =	sadd.s32 $0xA00, s7;
	[sflag:s26] =	ssyncadd.s32 $0xFFFFE000  }
0xcd: {  	[tilespmem:s28], [sflag:$0x5] =	stream.indirect.gather [hbm4b:s5+s19], $0x40, s8, s19, $0xb8;
	[tilespmem:$0x1B800] =	vst v63  }
.LBB2_5:
0xce: {  	_ =	sfence.sel $0x180000  }
0xcf: {  	[bflag:$0x0] =	sbarrier.arrive $0xFFFF  }
0xd0: {  	_ =	strace $0x90000047  }
0xd1: {  	s0 =	stileid.u32;
	[bflag:$0x2] =	sbarrier.arrive $0xFFFF  }
0xd2: {  	p0 =	sne.s32 s0, $0x0;
	s0 =	rddreg [dreg:$0x3]  }
0xd3: {  	s0 =	sadd.s32 @!p0 $0x100000, s0  }
0xd4: {  	[sflag:s0] =	ssyncadd.tile.s32 @!p0 $0x1;
	_ =	shalt  }
.Lfunc_end2:
_tile_overlayer_lowered:
.L_overlay_start_2:
0xd5: {  	(tag) =	ssettag $0x2  }
0xd6: {  	s0 =	rddreg [dreg:$0x0];
	s2 =	stileid.u32  }
0xd7: {  	s1 =	rddreg [dreg:$0x1];
	p0 =	sne.s32 s2, $0x0  }
0xd8: {  	s3 =	rddreg [dreg:$0x2];
	[bflag:$0x3] =	sbarrier.arrive $0xFFFF;
	s2 =	simm.s32 @!p0 $0x1C0C  }
0xd9: {  	[timem:s3], [sflag:s2] =	dma.local @!p0 [hbm:s0], s1  }
0xda: {  	s0 =	simm.s32 @!p0 $0xC  }
0xdb: {  	_ =	swait.ge @!p0 [sflag:s0], s1  }
0xdc: {  	s1 =	ssub.s32 @!p0 $0x0, s1;
	[sflag:s0] =	ssyncset.done @!p0 $0x0  }
0xdd: {  	[sflag:s0] =	ssyncadd.s32 @!p0 s1  }
0xde: {  	[bflag:$0x3] =	sbarrier.arrive $0xFFFF  }
0xdf: {  	_ =	shalt  }

</sc_bundles>
